<compile_context>
chip_gen: v7x
topology: tpu7x:2x2x1
jax: 0.10.2.dev20260603
libtpu: 0.0.44.dev20260713+nightly
codegen_flags: <defaults>
</compile_context>

<pallas_src>
import functools

import jax
import jax.numpy as jnp
from jax import lax
from jax.experimental import pallas as pl
from jax.experimental.pallas import tpu as pltpu
from jax.experimental.pallas import tpu_sc as plsc

N = 10000
E = 160000
D_IN = 256
D_HID = 512
HALF = D_IN // 2
NC, NS = 2, 16
NW = NC * NS
N_PAD = 10240
RPT = N_PAD // NS
G = 128
NGP = 1280
E_PAD = NGP * G
R1 = NGP // NW
R3 = NGP // NS

_f32 = jnp.float32


def _sc_mesh():
    return plsc.VectorSubcoreMesh(core_axis_name="c", subcore_axis_name="s")


def _degree_hist(src2, dst2, zeros_in):

    @functools.partial(
        pl.kernel,
        out_type=jax.ShapeDtypeStruct((NC, NS, 2, N_PAD), _f32),
        mesh=_sc_mesh(),
        compiler_params=pltpu.CompilerParams(needs_layout_passes=False),
        scratch_types=[
            pltpu.VMEM((R1, G), jnp.int32),
            pltpu.VMEM((R1, G), jnp.int32),
            pltpu.VMEM((N_PAD,), _f32),
            pltpu.VMEM((N_PAD,), _f32),
        ],
    )
    def k(src_hbm, dst_hbm, zeros_hbm, out_hbm, idx_s, idx_d, hist_s, hist_d):
        c = lax.axis_index("c")
        s = lax.axis_index("s")
        w = c * NS + s
        pltpu.sync_copy(zeros_hbm, hist_s)
        pltpu.sync_copy(zeros_hbm, hist_d)
        pltpu.sync_copy(src_hbm.at[pl.ds(w * R1, R1)], idx_s)
        pltpu.sync_copy(dst_hbm.at[pl.ds(w * R1, R1)], idx_d)
        ones16 = jnp.full((16,), 1.0, _f32)

        def row(r, carry):
            for kk in range(G // 16):
                plsc.addupdate_scatter(
                    hist_s, [idx_s[r, pl.ds(kk * 16, 16)]], ones16)
                plsc.addupdate_scatter(
                    hist_d, [idx_d[r, pl.ds(kk * 16, 16)]], ones16)
            return carry

        lax.fori_loop(0, R1, row, 0)
        pltpu.sync_copy(hist_s, out_hbm.at[c].at[s].at[0])
        pltpu.sync_copy(hist_d, out_hbm.at[c].at[s].at[1])

    return k(src2, dst2, zeros_in)


def _prescale_body(feat_ref, deg_ref, h_ref, nd_ref):
    blk = feat_ref.shape[0]
    d = deg_ref[...]
    d2 = jnp.sum(d, axis=(0, 1))
    ns_row = lax.rsqrt(d2[0:1, :] + 1.0)
    nd_row = lax.rsqrt(d2[1:2, :] + 1.0)
    eye = (lax.broadcasted_iota(jnp.int32, (blk, blk), 0)
           == lax.broadcasted_iota(jnp.int32, (blk, blk), 1)).astype(_f32)
    dn = (((1,), (1,)), ((), ()))
    ns_col = lax.dot_general(eye, ns_row, dn, preferred_element_type=_f32)
    nd_col = lax.dot_general(eye, nd_row, dn, preferred_element_type=_f32)
    h = feat_ref[...] * ns_col
    h_ref[0, :, :] = h[:, :HALF]
    h_ref[1, :, :] = h[:, HALF:]
    nd_ref[...] = nd_col


def _prescale(feat, deg_parts):
    blk = 640
    grid = N_PAD // blk
    return pl.pallas_call(
        _prescale_body,
        grid=(grid,),
        in_specs=[
            pl.BlockSpec((blk, D_IN), lambda i: (i, 0)),
            pl.BlockSpec((NC, NS, 2, blk), lambda i: (0, 0, 0, i)),
        ],
        out_specs=[
            pl.BlockSpec((NC, blk, HALF), lambda i: (0, i, 0)),
            pl.BlockSpec((blk, 1), lambda i: (i, 0)),
        ],
        out_shape=[
            jax.ShapeDtypeStruct((NC, N_PAD, HALF), _f32),
            jax.ShapeDtypeStruct((N_PAD, 1), _f32),
        ],
    )(feat, deg_parts)


def _segment_sum(h, src2, dst2):
    assert R3 == 80
    GP = R3 // 2

    @functools.partial(
        pl.kernel,
        out_type=jax.ShapeDtypeStruct((NC, N_PAD, HALF), _f32),
        mesh=_sc_mesh(),
        scratch_types=[
            pltpu.VMEM((GP, G), jnp.int32),
            pltpu.VMEM((GP, G), jnp.int32),
            pltpu.VMEM((2, G, HALF), _f32),
            pltpu.VMEM_SHARED((N_PAD, HALF), _f32),
            pltpu.SemaphoreType.DMA((2,)),
        ],
    )
    def k(h_hbm, src_hbm, dst_hbm, out_hbm, idx_s, idx_d, rows, acc, gsem):
        c = lax.axis_index("c")
        s = lax.axis_index("s")
        sl = pl.ds(s * RPT, RPT)
        pltpu.sync_copy(h_hbm.at[c].at[sl], acc.at[sl])
        plsc.subcore_barrier()

        def gth(g, b):
            pltpu.async_copy(h_hbm.at[c].at[idx_s.at[g]], rows.at[b],
                             gsem.at[b])

        def gth_wait(g, b):
            pltpu.make_async_copy(h_hbm.at[c].at[idx_s.at[g]], rows.at[b],
                                  gsem.at[b]).wait()

        def step(g, b, refill=True):
            gth_wait(g, b)
            pltpu.sync_copy(rows.at[b], acc.at[idx_d.at[g]], add=True)
            if refill:
                gth(g + 2, b)

        for p in range(2):
            base = pl.ds((s * 2 + p) * GP, GP)
            pltpu.sync_copy(src_hbm.at[base], idx_s)
            pltpu.sync_copy(dst_hbm.at[base], idx_d)
            gth(0, 0)
            gth(1, 1)

            def pair(kq, carry):
                g = 2 * kq
                step(g, 0)
                step(g + 1, 1)
                return carry

            lax.fori_loop(0, (GP - 2) // 2, pair, 0)
            step(GP - 2, 0, refill=False)
            step(GP - 1, 1, refill=False)

        plsc.subcore_barrier()
        pltpu.sync_copy(acc.at[sl], out_hbm.at[c].at[sl])

    return k(h, src2, dst2)


_BLK4 = 1000
_NB4 = N // _BLK4


def _proj_bn_body(agg_ref, nd_ref, w_ref, b_ref, gamma_ref, beta_ref,
                  out_ref, rst_s, stats_s):
    i = pl.program_id(0)

    @pl.when(i < _NB4)
    def _():
        nd = nd_ref[...]
        z0 = agg_ref[0, :, :] * nd
        z1 = agg_ref[1, :, :] * nd
        y = (jnp.dot(z0, w_ref[0, :, :], preferred_element_type=_f32)
             + jnp.dot(z1, w_ref[1, :, :], preferred_element_type=_f32)
             + b_ref[...])
        rst_s[pl.ds(i * _BLK4, _BLK4), :] = y
        cur = jnp.stack([jnp.sum(y, axis=0), jnp.sum(y * y, axis=0)], axis=0)
        prev = jnp.where(i == 0, jnp.zeros_like(cur), stats_s[...])
        stats_s[...] = prev + cur

    @pl.when(i >= _NB4)
    def _():
        j = i - _NB4
        st = stats_s[...]
        mean = st[0:1, :] * (1.0 / N)
        var = st[1:2, :] * (1.0 / N) - mean * mean
        scale = gamma_ref[...] * lax.rsqrt(var + 1e-5)
        shift = beta_ref[...] - mean * scale
        y = rst_s[pl.ds(j * _BLK4, _BLK4), :] * scale + shift
        out_ref[...] = jnp.where(y > 0, y, 0.01 * y)


def _proj_bn(agg, normd, w2, b2, gamma2, beta2):
    last = _NB4 - 1
    return pl.pallas_call(
        _proj_bn_body,
        grid=(2 * _NB4,),
        in_specs=[
            pl.BlockSpec((NC, _BLK4, HALF),
                         lambda i: (0, jnp.minimum(i, last), 0)),
            pl.BlockSpec((_BLK4, 1), lambda i: (jnp.minimum(i, last), 0)),
            pl.BlockSpec((NC, HALF, D_HID), lambda i: (0, 0, 0)),
            pl.BlockSpec((1, D_HID), lambda i: (0, 0)),
            pl.BlockSpec((1, D_HID), lambda i: (0, 0)),
            pl.BlockSpec((1, D_HID), lambda i: (0, 0)),
        ],
        out_specs=pl.BlockSpec((_BLK4, D_HID),
                               lambda i: (jnp.maximum(i - _NB4, 0), 0)),
        out_shape=jax.ShapeDtypeStruct((N, D_HID), _f32),
        scratch_shapes=[
            pltpu.VMEM((N, D_HID), _f32),
            pltpu.VMEM((2, D_HID), _f32),
        ],
    )(agg, normd, w2, b2, gamma2, beta2)


def kernel(feat, edge_index, W, b, gamma, beta):
    ei = edge_index.astype(jnp.int32)
    pad = jnp.full((E_PAD - E,), N, jnp.int32)
    src2 = jnp.concatenate([ei[0], pad]).reshape(NGP, G)
    dst2 = jnp.concatenate([ei[1], pad]).reshape(NGP, G)
    zeros_in = jnp.zeros((N_PAD,), _f32)

    deg_parts = _degree_hist(src2, dst2, zeros_in)
    h, normd = _prescale(feat, deg_parts)
    agg = _segment_sum(h, src2, dst2)
    return _proj_bn(agg, normd, W.reshape(NC, HALF, D_HID),
                    b.reshape(1, D_HID), gamma.reshape(1, D_HID),
                    beta.reshape(1, D_HID))

# --- scband reference (transcript-rebuilt; emitter-appended) ---
"""Pipeline reference for scband-gcn-83811991814305 (READ-ONLY COPY).

The authoritative reference and input builder live on the scoring server;
editing this copy changes nothing except your own understanding.
"""

import jax, jax.numpy as jnp
import numpy as np

N_NODES = 10000
N_EDGES = 160000
D_IN = 256
D_HID = 512


def setup_inputs(seed: int = 0) -> dict:
    key = jax.random.key(seed)
    k1, k2, k3, k4, k5, k6 = jax.random.split(key, 6)
    feat = jax.random.normal(k1, (N_NODES, D_IN), dtype=jnp.float32)
    edge_index = jax.random.randint(k2, (2, N_EDGES), 0, N_NODES, dtype=jnp.int64)
    # GraphConv weight (glorot) and bias
    limit = float(np.sqrt(6.0 / (D_IN + D_HID)))
    W = jax.random.uniform(k3, (D_IN, D_HID), minval=-limit, maxval=limit, dtype=jnp.float32)
    b = jnp.zeros((D_HID,), dtype=jnp.float32)
    # BatchNorm1d affine params
    gamma = jnp.ones((D_HID,), dtype=jnp.float32)
    beta = jnp.zeros((D_HID,), dtype=jnp.float32)
    return {"feat": feat, "edge_index": edge_index, "W": W, "b": b, "gamma": gamma, "beta": beta}


def reference(feat, edge_index, W, b, gamma, beta):
    N = feat.shape[0]
    # dgl.add_self_loop
    loop = jnp.arange(N, dtype=edge_index.dtype)
    src = jnp.concatenate([edge_index[0], loop])
    dst = jnp.concatenate([edge_index[1], loop])
    # GraphConv with norm='both': D_out^{-1/2} on src side, D_in^{-1/2} on dst side
    ones = jnp.ones_like(src, dtype=jnp.float32)
    deg_out = jnp.zeros((N,), dtype=jnp.float32).at[src].add(ones)
    deg_in = jnp.zeros((N,), dtype=jnp.float32).at[dst].add(ones)
    norm_src = jnp.where(deg_out > 0, jax.lax.rsqrt(jnp.maximum(deg_out, 1e-12)), 0.0)
    norm_dst = jnp.where(deg_in > 0, jax.lax.rsqrt(jnp.maximum(deg_in, 1e-12)), 0.0)
    h = feat * norm_src[:, None]
    # in_feats < out_feats -> aggregate first, then project (same math)
    agg = jax.ops.segment_sum(h[src], dst, num_segments=N)
    rst = agg * norm_dst[:, None]
    rst = rst @ W + b
    # BatchNorm1d (training-mode batch statistics, biased variance)
    mean = jnp.mean(rst, axis=0)
    var = jnp.mean((rst - mean) ** 2, axis=0)
    xhat = (rst - mean) * jax.lax.rsqrt(var + 1e-5)
    x = xhat * gamma + beta
    # LeakyReLU (default negative_slope=0.01)
    return jnp.where(x > 0, x, 0.01 * x)

if __name__ == "__main__":
    import jax
    _d = setup_inputs()
    print(jax.jit(kernel)(*tuple(_d.values())))

</pallas_src>

<mosaic_0001>
#map = affine_map<(d0, d1) -> (0, 0)>
#map1 = affine_map<(d0, d1) -> (0)>
#map2 = affine_map<(d0, d1) -> (0, 0, 0, 0)>
module attributes {stable_mosaic.version = 14 : i64} {
  func.func @k(%arg0: i32, %arg1: i32, %arg2: memref<1280x128xi32, #tpu.memory_space<hbm>>, %arg3: memref<1280x128xi32, #tpu.memory_space<hbm>>, %arg4: memref<10240xf32, #tpu.memory_space<hbm>>, %arg5: memref<2x16x2x10240xf32, #tpu.memory_space<hbm>>, %arg6: memref<40x128xi32, #tpu.memory_space<vmem>>, %arg7: memref<40x128xi32, #tpu.memory_space<vmem>>, %arg8: memref<10240xf32, #tpu.memory_space<vmem>>, %arg9: memref<10240xf32, #tpu.memory_space<vmem>>) attributes {dimension_semantics = [#tpu.dimension_semantics<core_parallel>, #tpu.dimension_semantics<subcore_parallel>], iteration_bounds = array<i64: 2, 16>, scalar_prefetch = 0 : i64, scratch_operands = 4 : i64, tpu.core_type = #tpu.core_type<sc_vector_subcore>, window_params = [{transform_indices = #map}, {transform_indices = #map}, {transform_indices = #map1}, {transform_indices = #map2}]} {
    %mul3A = arith.constant 16 : i32
    %mul3A_0 = arith.muli %arg0, %mul3A : i32
    %add3A = arith.addi %mul3A_0, %arg1 : i32
    "tpu.region"() ({
      %run_scoped3A_12 = tpu.sem_alloc : memref<!tpu.dma_semaphore, #tpu.memory_space<semaphore_mem>>
      tpu.enqueue_dma source(%arg4 : memref<10240xf32, #tpu.memory_space<hbm>>) target(%arg8 : memref<10240xf32, #tpu.memory_space<vmem>>) target_semaphore(%run_scoped3A_12 : memref<!tpu.dma_semaphore, #tpu.memory_space<semaphore_mem>>)
      tpu.wait_dma2 semaphore(%run_scoped3A_12 : memref<!tpu.dma_semaphore, #tpu.memory_space<semaphore_mem>>) src(%arg4 : memref<10240xf32, #tpu.memory_space<hbm>>) dst(%arg8 : memref<10240xf32, #tpu.memory_space<vmem>>)
      tpu.yield
    }) : () -> ()
    "tpu.region"() ({
      %run_scoped3A_12 = tpu.sem_alloc : memref<!tpu.dma_semaphore, #tpu.memory_space<semaphore_mem>>
      tpu.enqueue_dma source(%arg4 : memref<10240xf32, #tpu.memory_space<hbm>>) target(%arg9 : memref<10240xf32, #tpu.memory_space<vmem>>) target_semaphore(%run_scoped3A_12 : memref<!tpu.dma_semaphore, #tpu.memory_space<semaphore_mem>>)
      tpu.wait_dma2 semaphore(%run_scoped3A_12 : memref<!tpu.dma_semaphore, #tpu.memory_space<semaphore_mem>>) src(%arg4 : memref<10240xf32, #tpu.memory_space<hbm>>) dst(%arg9 : memref<10240xf32, #tpu.memory_space<vmem>>)
      tpu.yield
    }) : () -> ()
    %mul3A_1 = arith.constant 40 : i32
    %mul3A_2 = arith.muli %add3A, %mul3A_1 : i32
    "tpu.region"() ({
      %run_scoped3A_12 = tpu.sem_alloc : memref<!tpu.dma_semaphore, #tpu.memory_space<semaphore_mem>>
      %dma_start3A = arith.constant 0 : i32
      %dma_start3A_13 = tpu.memref_slice %arg2[%mul3A_2, %dma_start3A] : memref<1280x128xi32, #tpu.memory_space<hbm>> -> memref<40x128xi32, #tpu.memory_space<hbm>>
      %dma_start3A_14 = arith.constant 0 : i32
      %dma_start3A_15 = tpu.memref_slice %arg2[%mul3A_2, %dma_start3A_14] : memref<1280x128xi32, #tpu.memory_space<hbm>> -> memref<40x128xi32, #tpu.memory_space<hbm>>
      tpu.enqueue_dma source(%dma_start3A_15 : memref<40x128xi32, #tpu.memory_space<hbm>>) target(%arg6 : memref<40x128xi32, #tpu.memory_space<vmem>>) target_semaphore(%run_scoped3A_12 : memref<!tpu.dma_semaphore, #tpu.memory_space<semaphore_mem>>)
      %dma_wait3A = arith.constant 0 : i32
      %dma_wait3A_16 = tpu.memref_slice %arg2[%mul3A_2, %dma_wait3A] : memref<1280x128xi32, #tpu.memory_space<hbm>> -> memref<40x128xi32, #tpu.memory_space<hbm>>
      %dma_wait3A_17 = arith.constant 0 : i32
      %dma_wait3A_18 = tpu.memref_slice %arg2[%mul3A_2, %dma_wait3A_17] : memref<1280x128xi32, #tpu.memory_space<hbm>> -> memref<40x128xi32, #tpu.memory_space<hbm>>
      tpu.wait_dma2 semaphore(%run_scoped3A_12 : memref<!tpu.dma_semaphore, #tpu.memory_space<semaphore_mem>>) src(%dma_wait3A_18 : memref<40x128xi32, #tpu.memory_space<hbm>>) dst(%arg6 : memref<40x128xi32, #tpu.memory_space<vmem>>)
      tpu.yield
    }) : () -> ()
    %mul3A_3 = arith.constant 40 : i32
    %mul3A_4 = arith.muli %add3A, %mul3A_3 : i32
    "tpu.region"() ({
      %run_scoped3A_12 = tpu.sem_alloc : memref<!tpu.dma_semaphore, #tpu.memory_space<semaphore_mem>>
      %dma_start3A = arith.constant 0 : i32
      %dma_start3A_13 = tpu.memref_slice %arg3[%mul3A_4, %dma_start3A] : memref<1280x128xi32, #tpu.memory_space<hbm>> -> memref<40x128xi32, #tpu.memory_space<hbm>>
      %dma_start3A_14 = arith.constant 0 : i32
      %dma_start3A_15 = tpu.memref_slice %arg3[%mul3A_4, %dma_start3A_14] : memref<1280x128xi32, #tpu.memory_space<hbm>> -> memref<40x128xi32, #tpu.memory_space<hbm>>
      tpu.enqueue_dma source(%dma_start3A_15 : memref<40x128xi32, #tpu.memory_space<hbm>>) target(%arg7 : memref<40x128xi32, #tpu.memory_space<vmem>>) target_semaphore(%run_scoped3A_12 : memref<!tpu.dma_semaphore, #tpu.memory_space<semaphore_mem>>)
      %dma_wait3A = arith.constant 0 : i32
      %dma_wait3A_16 = tpu.memref_slice %arg3[%mul3A_4, %dma_wait3A] : memref<1280x128xi32, #tpu.memory_space<hbm>> -> memref<40x128xi32, #tpu.memory_space<hbm>>
      %dma_wait3A_17 = arith.constant 0 : i32
      %dma_wait3A_18 = tpu.memref_slice %arg3[%mul3A_4, %dma_wait3A_17] : memref<1280x128xi32, #tpu.memory_space<hbm>> -> memref<40x128xi32, #tpu.memory_space<hbm>>
      tpu.wait_dma2 semaphore(%run_scoped3A_12 : memref<!tpu.dma_semaphore, #tpu.memory_space<semaphore_mem>>) src(%dma_wait3A_18 : memref<40x128xi32, #tpu.memory_space<hbm>>) dst(%arg7 : memref<40x128xi32, #tpu.memory_space<vmem>>)
      tpu.yield
    }) : () -> ()
    %broadcast_in_dim3A = arith.constant 1.000000e+00 : f32
    %broadcast_in_dim3A_5 = vector.broadcast %broadcast_in_dim3A : f32 to vector<16xf32>
    %scan3A = arith.constant 0 : i32
    %scan3A_6 = arith.constant 0 : i32
    %scan3A_7 = arith.constant 40 : i32
    %scan3A_8 = arith.addi %scan3A_6, %scan3A_7 : i32
    %scan3A_9 = arith.constant 1 : i32
    scf.for %scan3A_12 = %scan3A_6 to %scan3A_8 step %scan3A_9  : i32 {
      %get3A = arith.index_cast %scan3A_12 : i32 to index
      %get3A_13 = arith.constant 0 : index
      %get3A_14 = tpu.vector_load %arg6[%get3A, %get3A_13] {strides = array<i32>} : memref<40x128xi32, #tpu.memory_space<vmem>>, vector<16xi32>,
      tpu.vector_store_idx %arg8[%get3A_14], %broadcast_in_dim3A_5 {add = true} : memref<10240xf32, #tpu.memory_space<vmem>>[vector<16xi32>], vector<16xf32>,
      %get3A_15 = arith.index_cast %scan3A_12 : i32 to index
      %get3A_16 = arith.constant 0 : index
      %get3A_17 = tpu.vector_load %arg7[%get3A_15, %get3A_16] {strides = array<i32>} : memref<40x128xi32, #tpu.memory_space<vmem>>, vector<16xi32>,
      tpu.vector_store_idx %arg9[%get3A_17], %broadcast_in_dim3A_5 {add = true} : memref<10240xf32, #tpu.memory_space<vmem>>[vector<16xi32>], vector<16xf32>,
      %get3A_18 = arith.index_cast %scan3A_12 : i32 to index
      %get3A_19 = arith.constant 16 : index
      %get3A_20 = tpu.vector_load %arg6[%get3A_18, %get3A_19] {strides = array<i32>} : memref<40x128xi32, #tpu.memory_space<vmem>>, vector<16xi32>,
      tpu.vector_store_idx %arg8[%get3A_20], %broadcast_in_dim3A_5 {add = true} : memref<10240xf32, #tpu.memory_space<vmem>>[vector<16xi32>], vector<16xf32>,
      %get3A_21 = arith.index_cast %scan3A_12 : i32 to index
      %get3A_22 = arith.constant 16 : index
      %get3A_23 = tpu.vector_load %arg7[%get3A_21, %get3A_22] {strides = array<i32>} : memref<40x128xi32, #tpu.memory_space<vmem>>, vector<16xi32>,
      tpu.vector_store_idx %arg9[%get3A_23], %broadcast_in_dim3A_5 {add = true} : memref<10240xf32, #tpu.memory_space<vmem>>[vector<16xi32>], vector<16xf32>,
      %get3A_24 = arith.index_cast %scan3A_12 : i32 to index
      %get3A_25 = arith.constant 32 : index
      %get3A_26 = tpu.vector_load %arg6[%get3A_24, %get3A_25] {strides = array<i32>} : memref<40x128xi32, #tpu.memory_space<vmem>>, vector<16xi32>,
      tpu.vector_store_idx %arg8[%get3A_26], %broadcast_in_dim3A_5 {add = true} : memref<10240xf32, #tpu.memory_space<vmem>>[vector<16xi32>], vector<16xf32>,
      %get3A_27 = arith.index_cast %scan3A_12 : i32 to index
      %get3A_28 = arith.constant 32 : index
      %get3A_29 = tpu.vector_load %arg7[%get3A_27, %get3A_28] {strides = array<i32>} : memref<40x128xi32, #tpu.memory_space<vmem>>, vector<16xi32>,
      tpu.vector_store_idx %arg9[%get3A_29], %broadcast_in_dim3A_5 {add = true} : memref<10240xf32, #tpu.memory_space<vmem>>[vector<16xi32>], vector<16xf32>,
      %get3A_30 = arith.index_cast %scan3A_12 : i32 to index
      %get3A_31 = arith.constant 48 : index
      %get3A_32 = tpu.vector_load %arg6[%get3A_30, %get3A_31] {strides = array<i32>} : memref<40x128xi32, #tpu.memory_space<vmem>>, vector<16xi32>,
      tpu.vector_store_idx %arg8[%get3A_32], %broadcast_in_dim3A_5 {add = true} : memref<10240xf32, #tpu.memory_space<vmem>>[vector<16xi32>], vector<16xf32>,
      %get3A_33 = arith.index_cast %scan3A_12 : i32 to index
      %get3A_34 = arith.constant 48 : index
      %get3A_35 = tpu.vector_load %arg7[%get3A_33, %get3A_34] {strides = array<i32>} : memref<40x128xi32, #tpu.memory_space<vmem>>, vector<16xi32>,
      tpu.vector_store_idx %arg9[%get3A_35], %broadcast_in_dim3A_5 {add = true} : memref<10240xf32, #tpu.memory_space<vmem>>[vector<16xi32>], vector<16xf32>,
      %get3A_36 = arith.index_cast %scan3A_12 : i32 to index
      %get3A_37 = arith.constant 64 : index
      %get3A_38 = tpu.vector_load %arg6[%get3A_36, %get3A_37] {strides = array<i32>} : memref<40x128xi32, #tpu.memory_space<vmem>>, vector<16xi32>,
      tpu.vector_store_idx %arg8[%get3A_38], %broadcast_in_dim3A_5 {add = true} : memref<10240xf32, #tpu.memory_space<vmem>>[vector<16xi32>], vector<16xf32>,
      %get3A_39 = arith.index_cast %scan3A_12 : i32 to index
      %get3A_40 = arith.constant 64 : index
      %get3A_41 = tpu.vector_load %arg7[%get3A_39, %get3A_40] {strides = array<i32>} : memref<40x128xi32, #tpu.memory_space<vmem>>, vector<16xi32>,
      tpu.vector_store_idx %arg9[%get3A_41], %broadcast_in_dim3A_5 {add = true} : memref<10240xf32, #tpu.memory_space<vmem>>[vector<16xi32>], vector<16xf32>,
      %get3A_42 = arith.index_cast %scan3A_12 : i32 to index
      %get3A_43 = arith.constant 80 : index
      %get3A_44 = tpu.vector_load %arg6[%get3A_42, %get3A_43] {strides = array<i32>} : memref<40x128xi32, #tpu.memory_space<vmem>>, vector<16xi32>,
      tpu.vector_store_idx %arg8[%get3A_44], %broadcast_in_dim3A_5 {add = true} : memref<10240xf32, #tpu.memory_space<vmem>>[vector<16xi32>], vector<16xf32>,
      %get3A_45 = arith.index_cast %scan3A_12 : i32 to index
      %get3A_46 = arith.constant 80 : index
      %get3A_47 = tpu.vector_load %arg7[%get3A_45, %get3A_46] {strides = array<i32>} : memref<40x128xi32, #tpu.memory_space<vmem>>, vector<16xi32>,
      tpu.vector_store_idx %arg9[%get3A_47], %broadcast_in_dim3A_5 {add = true} : memref<10240xf32, #tpu.memory_space<vmem>>[vector<16xi32>], vector<16xf32>,
      %get3A_48 = arith.index_cast %scan3A_12 : i32 to index
      %get3A_49 = arith.constant 96 : index
      %get3A_50 = tpu.vector_load %arg6[%get3A_48, %get3A_49] {strides = array<i32>} : memref<40x128xi32, #tpu.memory_space<vmem>>, vector<16xi32>,
      tpu.vector_store_idx %arg8[%get3A_50], %broadcast_in_dim3A_5 {add = true} : memref<10240xf32, #tpu.memory_space<vmem>>[vector<16xi32>], vector<16xf32>,
      %get3A_51 = arith.index_cast %scan3A_12 : i32 to index
      %get3A_52 = arith.constant 96 : index
      %get3A_53 = tpu.vector_load %arg7[%get3A_51, %get3A_52] {strides = array<i32>} : memref<40x128xi32, #tpu.memory_space<vmem>>, vector<16xi32>,
      tpu.vector_store_idx %arg9[%get3A_53], %broadcast_in_dim3A_5 {add = true} : memref<10240xf32, #tpu.memory_space<vmem>>[vector<16xi32>], vector<16xf32>,
      %get3A_54 = arith.index_cast %scan3A_12 : i32 to index
      %get3A_55 = arith.constant 112 : index
      %get3A_56 = tpu.vector_load %arg6[%get3A_54, %get3A_55] {strides = array<i32>} : memref<40x128xi32, #tpu.memory_space<vmem>>, vector<16xi32>,
      tpu.vector_store_idx %arg8[%get3A_56], %broadcast_in_dim3A_5 {add = true} : memref<10240xf32, #tpu.memory_space<vmem>>[vector<16xi32>], vector<16xf32>,
      %get3A_57 = arith.index_cast %scan3A_12 : i32 to index
      %get3A_58 = arith.constant 112 : index
      %get3A_59 = tpu.vector_load %arg7[%get3A_57, %get3A_58] {strides = array<i32>} : memref<40x128xi32, #tpu.memory_space<vmem>>, vector<16xi32>,
      tpu.vector_store_idx %arg9[%get3A_59], %broadcast_in_dim3A_5 {add = true} : memref<10240xf32, #tpu.memory_space<vmem>>[vector<16xi32>], vector<16xf32>,
    }
    %scan3A_10 = arith.constant 40 : i32
    %run_scoped3A = arith.constant 0 : i32
    "tpu.region"() ({
      %run_scoped3A_12 = tpu.sem_alloc : memref<!tpu.dma_semaphore, #tpu.memory_space<semaphore_mem>>
      %dma_start3A = arith.constant 0 : i32
      %dma_start3A_13 = arith.constant 0 : i32
      %dma_start3A_14 = arith.constant 0 : i32
      %dma_start3A_15 = tpu.memref_slice %arg5[%arg0, %dma_start3A, %dma_start3A_13, %dma_start3A_14] : memref<2x16x2x10240xf32, #tpu.memory_space<hbm>> -> memref<1x16x2x10240xf32, #tpu.memory_space<hbm>>
      %dma_start3A_16 = tpu.memref_squeeze %dma_start3A_15 : memref<1x16x2x10240xf32, #tpu.memory_space<hbm>> -> memref<16x2x10240xf32, #tpu.memory_space<hbm>>
      %dma_start3A_17 = arith.constant 0 : i32
      %dma_start3A_18 = arith.constant 0 : i32
      %dma_start3A_19 = tpu.memref_slice %dma_start3A_16[%arg1, %dma_start3A_17, %dma_start3A_18] : memref<16x2x10240xf32, #tpu.memory_space<hbm>> -> memref<1x2x10240xf32, #tpu.memory_space<hbm>>
      %dma_start3A_20 = tpu.memref_squeeze %dma_start3A_19 : memref<1x2x10240xf32, #tpu.memory_space<hbm>> -> memref<2x10240xf32, #tpu.memory_space<hbm>>
      %dma_start3A_21 = arith.constant 0 : i32
      %dma_start3A_22 = tpu.memref_slice %dma_start3A_20[%run_scoped3A, %dma_start3A_21] : memref<2x10240xf32, #tpu.memory_space<hbm>> -> memref<1x10240xf32, #tpu.memory_space<hbm>>
      %dma_start3A_23 = tpu.memref_squeeze %dma_start3A_22 : memref<1x10240xf32, #tpu.memory_space<hbm>> -> memref<10240xf32, #tpu.memory_space<hbm>>
      %dma_start3A_24 = arith.constant 0 : i32
      %dma_start3A_25 = arith.constant 0 : i32
      %dma_start3A_26 = arith.constant 0 : i32
      %dma_start3A_27 = tpu.memref_slice %arg5[%arg0, %dma_start3A_24, %dma_start3A_25, %dma_start3A_26] : memref<2x16x2x10240xf32, #tpu.memory_space<hbm>> -> memref<1x16x2x10240xf32, #tpu.memory_space<hbm>>
      %dma_start3A_28 = tpu.memref_squeeze %dma_start3A_27 : memref<1x16x2x10240xf32, #tpu.memory_space<hbm>> -> memref<16x2x10240xf32, #tpu.memory_space<hbm>>
      %dma_start3A_29 = arith.constant 0 : i32
      %dma_start3A_30 = arith.constant 0 : i32
      %dma_start3A_31 = tpu.memref_slice %dma_start3A_28[%arg1, %dma_start3A_29, %dma_start3A_30] : memref<16x2x10240xf32, #tpu.memory_space<hbm>> -> memref<1x2x10240xf32, #tpu.memory_space<hbm>>
      %dma_start3A_32 = tpu.memref_squeeze %dma_start3A_31 : memref<1x2x10240xf32, #tpu.memory_space<hbm>> -> memref<2x10240xf32, #tpu.memory_space<hbm>>
      %dma_start3A_33 = arith.constant 0 : i32
      %dma_start3A_34 = tpu.memref_slice %dma_start3A_32[%run_scoped3A, %dma_start3A_33] : memref<2x10240xf32, #tpu.memory_space<hbm>> -> memref<1x10240xf32, #tpu.memory_space<hbm>>
      %dma_start3A_35 = tpu.memref_squeeze %dma_start3A_34 : memref<1x10240xf32, #tpu.memory_space<hbm>> -> memref<10240xf32, #tpu.memory_space<hbm>>
      tpu.enqueue_dma source(%arg8 : memref<10240xf32, #tpu.memory_space<vmem>>) target(%dma_start3A_35 : memref<10240xf32, #tpu.memory_space<hbm>>) target_semaphore(%run_scoped3A_12 : memref<!tpu.dma_semaphore, #tpu.memory_space<semaphore_mem>>)
      %dma_wait3A = arith.constant 0 : i32
      %dma_wait3A_36 = arith.constant 0 : i32
      %dma_wait3A_37 = arith.constant 0 : i32
      %dma_wait3A_38 = tpu.memref_slice %arg5[%arg0, %dma_wait3A, %dma_wait3A_36, %dma_wait3A_37] : memref<2x16x2x10240xf32, #tpu.memory_space<hbm>> -> memref<1x16x2x10240xf32, #tpu.memory_space<hbm>>
      %dma_wait3A_39 = tpu.memref_squeeze %dma_wait3A_38 : memref<1x16x2x10240xf32, #tpu.memory_space<hbm>> -> memref<16x2x10240xf32, #tpu.memory_space<hbm>>
      %dma_wait3A_40 = arith.constant 0 : i32
      %dma_wait3A_41 = arith.constant 0 : i32
      %dma_wait3A_42 = tpu.memref_slice %dma_wait3A_39[%arg1, %dma_wait3A_40, %dma_wait3A_41] : memref<16x2x10240xf32, #tpu.memory_space<hbm>> -> memref<1x2x10240xf32, #tpu.memory_space<hbm>>
      %dma_wait3A_43 = tpu.memref_squeeze %dma_wait3A_42 : memref<1x2x10240xf32, #tpu.memory_space<hbm>> -> memref<2x10240xf32, #tpu.memory_space<hbm>>
      %dma_wait3A_44 = arith.constant 0 : i32
      %dma_wait3A_45 = tpu.memref_slice %dma_wait3A_43[%run_scoped3A, %dma_wait3A_44] : memref<2x10240xf32, #tpu.memory_space<hbm>> -> memref<1x10240xf32, #tpu.memory_space<hbm>>
      %dma_wait3A_46 = tpu.memref_squeeze %dma_wait3A_45 : memref<1x10240xf32, #tpu.memory_space<hbm>> -> memref<10240xf32, #tpu.memory_space<hbm>>
      %dma_wait3A_47 = arith.constant 0 : i32
      %dma_wait3A_48 = arith.constant 0 : i32
      %dma_wait3A_49 = arith.constant 0 : i32
      %dma_wait3A_50 = tpu.memref_slice %arg5[%arg0, %dma_wait3A_47, %dma_wait3A_48, %dma_wait3A_49] : memref<2x16x2x10240xf32, #tpu.memory_space<hbm>> -> memref<1x16x2x10240xf32, #tpu.memory_space<hbm>>
      %dma_wait3A_51 = tpu.memref_squeeze %dma_wait3A_50 : memref<1x16x2x10240xf32, #tpu.memory_space<hbm>> -> memref<16x2x10240xf32, #tpu.memory_space<hbm>>
      %dma_wait3A_52 = arith.constant 0 : i32
      %dma_wait3A_53 = arith.constant 0 : i32
      %dma_wait3A_54 = tpu.memref_slice %dma_wait3A_51[%arg1, %dma_wait3A_52, %dma_wait3A_53] : memref<16x2x10240xf32, #tpu.memory_space<hbm>> -> memref<1x2x10240xf32, #tpu.memory_space<hbm>>
      %dma_wait3A_55 = tpu.memref_squeeze %dma_wait3A_54 : memref<1x2x10240xf32, #tpu.memory_space<hbm>> -> memref<2x10240xf32, #tpu.memory_space<hbm>>
      %dma_wait3A_56 = arith.constant 0 : i32
      %dma_wait3A_57 = tpu.memref_slice %dma_wait3A_55[%run_scoped3A, %dma_wait3A_56] : memref<2x10240xf32, #tpu.memory_space<hbm>> -> memref<1x10240xf32, #tpu.memory_space<hbm>>
      %dma_wait3A_58 = tpu.memref_squeeze %dma_wait3A_57 : memref<1x10240xf32, #tpu.memory_space<hbm>> -> memref<10240xf32, #tpu.memory_space<hbm>>
      tpu.wait_dma2 semaphore(%run_scoped3A_12 : memref<!tpu.dma_semaphore, #tpu.memory_space<semaphore_mem>>) src(%arg8 : memref<10240xf32, #tpu.memory_space<vmem>>) dst(%dma_wait3A_58 : memref<10240xf32, #tpu.memory_space<hbm>>)
      tpu.yield
    }) : () -> ()
    %run_scoped3A_11 = arith.constant 1 : i32
    "tpu.region"() ({
      %run_scoped3A_12 = tpu.sem_alloc : memref<!tpu.dma_semaphore, #tpu.memory_space<semaphore_mem>>
      %dma_start3A = arith.constant 0 : i32
      %dma_start3A_13 = arith.constant 0 : i32
      %dma_start3A_14 = arith.constant 0 : i32
      %dma_start3A_15 = tpu.memref_slice %arg5[%arg0, %dma_start3A, %dma_start3A_13, %dma_start3A_14] : memref<2x16x2x10240xf32, #tpu.memory_space<hbm>> -> memref<1x16x2x10240xf32, #tpu.memory_space<hbm>>
      %dma_start3A_16 = tpu.memref_squeeze %dma_start3A_15 : memref<1x16x2x10240xf32, #tpu.memory_space<hbm>> -> memref<16x2x10240xf32, #tpu.memory_space<hbm>>
      %dma_start3A_17 = arith.constant 0 : i32
      %dma_start3A_18 = arith.constant 0 : i32
      %dma_start3A_19 = tpu.memref_slice %dma_start3A_16[%arg1, %dma_start3A_17, %dma_start3A_18] : memref<16x2x10240xf32, #tpu.memory_space<hbm>> -> memref<1x2x10240xf32, #tpu.memory_space<hbm>>
      %dma_start3A_20 = tpu.memref_squeeze %dma_start3A_19 : memref<1x2x10240xf32, #tpu.memory_space<hbm>> -> memref<2x10240xf32, #tpu.memory_space<hbm>>
      %dma_start3A_21 = arith.constant 0 : i32
      %dma_start3A_22 = tpu.memref_slice %dma_start3A_20[%run_scoped3A_11, %dma_start3A_21] : memref<2x10240xf32, #tpu.memory_space<hbm>> -> memref<1x10240xf32, #tpu.memory_space<hbm>>
      %dma_start3A_23 = tpu.memref_squeeze %dma_start3A_22 : memref<1x10240xf32, #tpu.memory_space<hbm>> -> memref<10240xf32, #tpu.memory_space<hbm>>
      %dma_start3A_24 = arith.constant 0 : i32
      %dma_start3A_25 = arith.constant 0 : i32
      %dma_start3A_26 = arith.constant 0 : i32
      %dma_start3A_27 = tpu.memref_slice %arg5[%arg0, %dma_start3A_24, %dma_start3A_25, %dma_start3A_26] : memref<2x16x2x10240xf32, #tpu.memory_space<hbm>> -> memref<1x16x2x10240xf32, #tpu.memory_space<hbm>>
      %dma_start3A_28 = tpu.memref_squeeze %dma_start3A_27 : memref<1x16x2x10240xf32, #tpu.memory_space<hbm>> -> memref<16x2x10240xf32, #tpu.memory_space<hbm>>
      %dma_start3A_29 = arith.constant 0 : i32
      %dma_start3A_30 = arith.constant 0 : i32
      %dma_start3A_31 = tpu.memref_slice %dma_start3A_28[%arg1, %dma_start3A_29, %dma_start3A_30] : memref<16x2x10240xf32, #tpu.memory_space<hbm>> -> memref<1x2x10240xf32, #tpu.memory_space<hbm>>
      %dma_start3A_32 = tpu.memref_squeeze %dma_start3A_31 : memref<1x2x10240xf32, #tpu.memory_space<hbm>> -> memref<2x10240xf32, #tpu.memory_space<hbm>>
      %dma_start3A_33 = arith.constant 0 : i32
      %dma_start3A_34 = tpu.memref_slice %dma_start3A_32[%run_scoped3A_11, %dma_start3A_33] : memref<2x10240xf32, #tpu.memory_space<hbm>> -> memref<1x10240xf32, #tpu.memory_space<hbm>>
      %dma_start3A_35 = tpu.memref_squeeze %dma_start3A_34 : memref<1x10240xf32, #tpu.memory_space<hbm>> -> memref<10240xf32, #tpu.memory_space<hbm>>
      tpu.enqueue_dma source(%arg9 : memref<10240xf32, #tpu.memory_space<vmem>>) target(%dma_start3A_35 : memref<10240xf32, #tpu.memory_space<hbm>>) target_semaphore(%run_scoped3A_12 : memref<!tpu.dma_semaphore, #tpu.memory_space<semaphore_mem>>)
      %dma_wait3A = arith.constant 0 : i32
      %dma_wait3A_36 = arith.constant 0 : i32
      %dma_wait3A_37 = arith.constant 0 : i32
      %dma_wait3A_38 = tpu.memref_slice %arg5[%arg0, %dma_wait3A, %dma_wait3A_36, %dma_wait3A_37] : memref<2x16x2x10240xf32, #tpu.memory_space<hbm>> -> memref<1x16x2x10240xf32, #tpu.memory_space<hbm>>
      %dma_wait3A_39 = tpu.memref_squeeze %dma_wait3A_38 : memref<1x16x2x10240xf32, #tpu.memory_space<hbm>> -> memref<16x2x10240xf32, #tpu.memory_space<hbm>>
      %dma_wait3A_40 = arith.constant 0 : i32
      %dma_wait3A_41 = arith.constant 0 : i32
      %dma_wait3A_42 = tpu.memref_slice %dma_wait3A_39[%arg1, %dma_wait3A_40, %dma_wait3A_41] : memref<16x2x10240xf32, #tpu.memory_space<hbm>> -> memref<1x2x10240xf32, #tpu.memory_space<hbm>>
      %dma_wait3A_43 = tpu.memref_squeeze %dma_wait3A_42 : memref<1x2x10240xf32, #tpu.memory_space<hbm>> -> memref<2x10240xf32, #tpu.memory_space<hbm>>
      %dma_wait3A_44 = arith.constant 0 : i32
      %dma_wait3A_45 = tpu.memref_slice %dma_wait3A_43[%run_scoped3A_11, %dma_wait3A_44] : memref<2x10240xf32, #tpu.memory_space<hbm>> -> memref<1x10240xf32, #tpu.memory_space<hbm>>
      %dma_wait3A_46 = tpu.memref_squeeze %dma_wait3A_45 : memref<1x10240xf32, #tpu.memory_space<hbm>> -> memref<10240xf32, #tpu.memory_space<hbm>>
      %dma_wait3A_47 = arith.constant 0 : i32
      %dma_wait3A_48 = arith.constant 0 : i32
      %dma_wait3A_49 = arith.constant 0 : i32
      %dma_wait3A_50 = tpu.memref_slice %arg5[%arg0, %dma_wait3A_47, %dma_wait3A_48, %dma_wait3A_49] : memref<2x16x2x10240xf32, #tpu.memory_space<hbm>> -> memref<1x16x2x10240xf32, #tpu.memory_space<hbm>>
      %dma_wait3A_51 = tpu.memref_squeeze %dma_wait3A_50 : memref<1x16x2x10240xf32, #tpu.memory_space<hbm>> -> memref<16x2x10240xf32, #tpu.memory_space<hbm>>
      %dma_wait3A_52 = arith.constant 0 : i32
      %dma_wait3A_53 = arith.constant 0 : i32
      %dma_wait3A_54 = tpu.memref_slice %dma_wait3A_51[%arg1, %dma_wait3A_52, %dma_wait3A_53] : memref<16x2x10240xf32, #tpu.memory_space<hbm>> -> memref<1x2x10240xf32, #tpu.memory_space<hbm>>
      %dma_wait3A_55 = tpu.memref_squeeze %dma_wait3A_54 : memref<1x2x10240xf32, #tpu.memory_space<hbm>> -> memref<2x10240xf32, #tpu.memory_space<hbm>>
      %dma_wait3A_56 = arith.constant 0 : i32
      %dma_wait3A_57 = tpu.memref_slice %dma_wait3A_55[%run_scoped3A_11, %dma_wait3A_56] : memref<2x10240xf32, #tpu.memory_space<hbm>> -> memref<1x10240xf32, #tpu.memory_space<hbm>>
      %dma_wait3A_58 = tpu.memref_squeeze %dma_wait3A_57 : memref<1x10240xf32, #tpu.memory_space<hbm>> -> memref<10240xf32, #tpu.memory_space<hbm>>
      tpu.wait_dma2 semaphore(%run_scoped3A_12 : memref<!tpu.dma_semaphore, #tpu.memory_space<semaphore_mem>>) src(%arg9 : memref<10240xf32, #tpu.memory_space<vmem>>) dst(%dma_wait3A_58 : memref<10240xf32, #tpu.memory_space<hbm>>)
      tpu.yield
    }) : () -> ()
    return
  }
}

#map = affine_map<(d0, d1) -> (0, 0, 0)>
#map1 = affine_map<(d0, d1) -> (0, 0)>
module attributes {stable_mosaic.version = 14 : i64} {
  func.func @k(%arg0: i32, %arg1: i32, %arg2: memref<2x10240x128xf32, #tpu.memory_space<hbm>>, %arg3: memref<1280x128xi32, #tpu.memory_space<hbm>>, %arg4: memref<1280x128xi32, #tpu.memory_space<hbm>>, %arg5: memref<2x10240x128xf32, #tpu.memory_space<hbm>>, %arg6: memref<40x128xi32, #tpu.memory_space<vmem>>, %arg7: memref<40x128xi32, #tpu.memory_space<vmem>>, %arg8: memref<2x128x128xf32, #tpu.memory_space<vmem>>, %arg9: memref<10240x128xf32, #tpu.memory_space<vmem_shared>>, %arg10: memref<2x!tpu.dma_semaphore, #tpu.memory_space<semaphore_mem>>) attributes {dimension_semantics = [#tpu.dimension_semantics<core_parallel>, #tpu.dimension_semantics<subcore_parallel>], iteration_bounds = array<i64: 2, 16>, scalar_prefetch = 0 : i64, scratch_operands = 5 : i64, tpu.core_type = #tpu.core_type<sc_vector_subcore>, window_params = [{transform_indices = #map}, {transform_indices = #map1}, {transform_indices = #map1}, {transform_indices = #map}]} {
    %mul3A = arith.constant 640 : i32
    %mul3A_0 = arith.muli %arg1, %mul3A : i32
    "tpu.region"() ({
      %run_scoped3A_181 = tpu.sem_alloc : memref<!tpu.dma_semaphore, #tpu.memory_space<semaphore_mem>>
      %dma_start3A_182 = arith.constant 0 : i32
      %dma_start3A_183 = tpu.memref_slice %arg9[%mul3A_0, %dma_start3A_182] : memref<10240x128xf32, #tpu.memory_space<vmem_shared>> -> memref<640x128xf32, #tpu.memory_space<vmem_shared>>
      %dma_start3A_184 = arith.constant 0 : i32
      %dma_start3A_185 = arith.constant 0 : i32
      %dma_start3A_186 = tpu.memref_slice %arg2[%arg0, %dma_start3A_184, %dma_start3A_185] : memref<2x10240x128xf32, #tpu.memory_space<hbm>> -> memref<1x10240x128xf32, #tpu.memory_space<hbm>>
      %dma_start3A_187 = tpu.memref_squeeze %dma_start3A_186 : memref<1x10240x128xf32, #tpu.memory_space<hbm>> -> memref<10240x128xf32, #tpu.memory_space<hbm>>
      %dma_start3A_188 = arith.constant 0 : i32
      %dma_start3A_189 = tpu.memref_slice %dma_start3A_187[%mul3A_0, %dma_start3A_188] : memref<10240x128xf32, #tpu.memory_space<hbm>> -> memref<640x128xf32, #tpu.memory_space<hbm>>
      tpu.enqueue_dma source(%dma_start3A_189 : memref<640x128xf32, #tpu.memory_space<hbm>>) target(%dma_start3A_183 : memref<640x128xf32, #tpu.memory_space<vmem_shared>>) target_semaphore(%run_scoped3A_181 : memref<!tpu.dma_semaphore, #tpu.memory_space<semaphore_mem>>)
      %dma_wait3A_190 = arith.constant 0 : i32
      %dma_wait3A_191 = tpu.memref_slice %arg9[%mul3A_0, %dma_wait3A_190] : memref<10240x128xf32, #tpu.memory_space<vmem_shared>> -> memref<640x128xf32, #tpu.memory_space<vmem_shared>>
      %dma_wait3A_192 = arith.constant 0 : i32
      %dma_wait3A_193 = arith.constant 0 : i32
      %dma_wait3A_194 = tpu.memref_slice %arg2[%arg0, %dma_wait3A_192, %dma_wait3A_193] : memref<2x10240x128xf32, #tpu.memory_space<hbm>> -> memref<1x10240x128xf32, #tpu.memory_space<hbm>>
      %dma_wait3A_195 = tpu.memref_squeeze %dma_wait3A_194 : memref<1x10240x128xf32, #tpu.memory_space<hbm>> -> memref<10240x128xf32, #tpu.memory_space<hbm>>
      %dma_wait3A_196 = arith.constant 0 : i32
      %dma_wait3A_197 = tpu.memref_slice %dma_wait3A_195[%mul3A_0, %dma_wait3A_196] : memref<10240x128xf32, #tpu.memory_space<hbm>> -> memref<640x128xf32, #tpu.memory_space<hbm>>
      tpu.wait_dma2 semaphore(%run_scoped3A_181 : memref<!tpu.dma_semaphore, #tpu.memory_space<semaphore_mem>>) src(%dma_wait3A_197 : memref<640x128xf32, #tpu.memory_space<hbm>>) dst(%dma_wait3A_191 : memref<640x128xf32, #tpu.memory_space<vmem_shared>>)
      tpu.yield
    }) : () -> ()
    %barrier3A = arith.constant 0 : index
    tpu.barrier barrier_id(%barrier3A)
    %mul3A_1 = arith.constant 2 : i32
    %mul3A_2 = arith.muli %arg1, %mul3A_1 : i32
    %add3A = arith.constant 0 : i32
    %add3A_3 = arith.addi %mul3A_2, %add3A : i32
    %mul3A_4 = arith.constant 40 : i32
    %mul3A_5 = arith.muli %add3A_3, %mul3A_4 : i32
    "tpu.region"() ({
      %run_scoped3A_181 = tpu.sem_alloc : memref<!tpu.dma_semaphore, #tpu.memory_space<semaphore_mem>>
      %dma_start3A_182 = arith.constant 0 : i32
      %dma_start3A_183 = tpu.memref_slice %arg3[%mul3A_5, %dma_start3A_182] : memref<1280x128xi32, #tpu.memory_space<hbm>> -> memref<40x128xi32, #tpu.memory_space<hbm>>
      %dma_start3A_184 = arith.constant 0 : i32
      %dma_start3A_185 = tpu.memref_slice %arg3[%mul3A_5, %dma_start3A_184] : memref<1280x128xi32, #tpu.memory_space<hbm>> -> memref<40x128xi32, #tpu.memory_space<hbm>>
      tpu.enqueue_dma source(%dma_start3A_185 : memref<40x128xi32, #tpu.memory_space<hbm>>) target(%arg6 : memref<40x128xi32, #tpu.memory_space<vmem>>) target_semaphore(%run_scoped3A_181 : memref<!tpu.dma_semaphore, #tpu.memory_space<semaphore_mem>>)
      %dma_wait3A_186 = arith.constant 0 : i32
      %dma_wait3A_187 = tpu.memref_slice %arg3[%mul3A_5, %dma_wait3A_186] : memref<1280x128xi32, #tpu.memory_space<hbm>> -> memref<40x128xi32, #tpu.memory_space<hbm>>
      %dma_wait3A_188 = arith.constant 0 : i32
      %dma_wait3A_189 = tpu.memref_slice %arg3[%mul3A_5, %dma_wait3A_188] : memref<1280x128xi32, #tpu.memory_space<hbm>> -> memref<40x128xi32, #tpu.memory_space<hbm>>
      tpu.wait_dma2 semaphore(%run_scoped3A_181 : memref<!tpu.dma_semaphore, #tpu.memory_space<semaphore_mem>>) src(%dma_wait3A_189 : memref<40x128xi32, #tpu.memory_space<hbm>>) dst(%arg6 : memref<40x128xi32, #tpu.memory_space<vmem>>)
      tpu.yield
    }) : () -> ()
    "tpu.region"() ({
      %run_scoped3A_181 = tpu.sem_alloc : memref<!tpu.dma_semaphore, #tpu.memory_space<semaphore_mem>>
      %dma_start3A_182 = arith.constant 0 : i32
      %dma_start3A_183 = tpu.memref_slice %arg4[%mul3A_5, %dma_start3A_182] : memref<1280x128xi32, #tpu.memory_space<hbm>> -> memref<40x128xi32, #tpu.memory_space<hbm>>
      %dma_start3A_184 = arith.constant 0 : i32
      %dma_start3A_185 = tpu.memref_slice %arg4[%mul3A_5, %dma_start3A_184] : memref<1280x128xi32, #tpu.memory_space<hbm>> -> memref<40x128xi32, #tpu.memory_space<hbm>>
      tpu.enqueue_dma source(%dma_start3A_185 : memref<40x128xi32, #tpu.memory_space<hbm>>) target(%arg7 : memref<40x128xi32, #tpu.memory_space<vmem>>) target_semaphore(%run_scoped3A_181 : memref<!tpu.dma_semaphore, #tpu.memory_space<semaphore_mem>>)
      %dma_wait3A_186 = arith.constant 0 : i32
      %dma_wait3A_187 = tpu.memref_slice %arg4[%mul3A_5, %dma_wait3A_186] : memref<1280x128xi32, #tpu.memory_space<hbm>> -> memref<40x128xi32, #tpu.memory_space<hbm>>
      %dma_wait3A_188 = arith.constant 0 : i32
      %dma_wait3A_189 = tpu.memref_slice %arg4[%mul3A_5, %dma_wait3A_188] : memref<1280x128xi32, #tpu.memory_space<hbm>> -> memref<40x128xi32, #tpu.memory_space<hbm>>
      tpu.wait_dma2 semaphore(%run_scoped3A_181 : memref<!tpu.dma_semaphore, #tpu.memory_space<semaphore_mem>>) src(%dma_wait3A_189 : memref<40x128xi32, #tpu.memory_space<hbm>>) dst(%arg7 : memref<40x128xi32, #tpu.memory_space<vmem>>)
      tpu.yield
    }) : () -> ()
    %dma_start3A = arith.constant 0 : i32
    %dma_start3A_6 = arith.constant 0 : i32
    %dma_start3A_7 = arith.constant 0 : i32
    %dma_start3A_8 = arith.constant 0 : i32
    %dma_start3A_9 = arith.constant 0 : i32
    %dma_start3A_10 = tpu.memref_slice %arg8[%dma_start3A_6, %dma_start3A_8, %dma_start3A_9] : memref<2x128x128xf32, #tpu.memory_space<vmem>> -> memref<1x128x128xf32, #tpu.memory_space<vmem>>
    %dma_start3A_11 = tpu.memref_squeeze %dma_start3A_10 : memref<1x128x128xf32, #tpu.memory_space<vmem>> -> memref<128x128xf32, #tpu.memory_space<vmem>>
    %dma_start3A_12 = arith.constant 0 : i32
    %dma_start3A_13 = tpu.memref_slice %arg6[%dma_start3A, %dma_start3A_12] : memref<40x128xi32, #tpu.memory_space<vmem>> -> memref<1x128xi32, #tpu.memory_space<vmem>>
    %dma_start3A_14 = tpu.memref_squeeze %dma_start3A_13 : memref<1x128xi32, #tpu.memory_space<vmem>> -> memref<128xi32, #tpu.memory_space<vmem>>
    %dma_start3A_15 = arith.constant 0 : i32
    %dma_start3A_16 = arith.constant 0 : i32
    %dma_start3A_17 = tpu.memref_slice %arg2[%arg0, %dma_start3A_15, %dma_start3A_16] : memref<2x10240x128xf32, #tpu.memory_space<hbm>> -> memref<1x10240x128xf32, #tpu.memory_space<hbm>>
    %dma_start3A_18 = tpu.memref_squeeze %dma_start3A_17 : memref<1x10240x128xf32, #tpu.memory_space<hbm>> -> memref<10240x128xf32, #tpu.memory_space<hbm>>
    %dma_start3A_19 = arith.constant 0 : i32
    %dma_start3A_20 = arith.constant 0 : i32
    %dma_start3A_21 = tpu.memref_slice %dma_start3A_18[%dma_start3A_19, %dma_start3A_20] : memref<10240x128xf32, #tpu.memory_space<hbm>> -> memref<10240x128xf32, #tpu.memory_space<hbm>>
    %dma_start3A_22 = tpu.memref_slice %arg10[%dma_start3A_7] : memref<2x!tpu.dma_semaphore, #tpu.memory_space<semaphore_mem>> -> memref<1x!tpu.dma_semaphore, #tpu.memory_space<semaphore_mem>>
    %dma_start3A_23 = tpu.memref_squeeze %dma_start3A_22 : memref<1x!tpu.dma_semaphore, #tpu.memory_space<semaphore_mem>> -> memref<!tpu.dma_semaphore, #tpu.memory_space<semaphore_mem>>
    tpu.enqueue_indirect_dma source(%dma_start3A_21 : memref<10240x128xf32, #tpu.memory_space<hbm>>) target(%dma_start3A_11 : memref<128x128xf32, #tpu.memory_space<vmem>>) offsets(%dma_start3A_14 : memref<128xi32, #tpu.memory_space<vmem>>) semaphore(%dma_start3A_23 : memref<!tpu.dma_semaphore, #tpu.memory_space<semaphore_mem>>)
    %dma_start3A_24 = arith.constant 1 : i32
    %dma_start3A_25 = arith.constant 1 : i32
    %dma_start3A_26 = arith.constant 1 : i32
    %dma_start3A_27 = arith.constant 0 : i32
    %dma_start3A_28 = arith.constant 0 : i32
    %dma_start3A_29 = tpu.memref_slice %arg8[%dma_start3A_25, %dma_start3A_27, %dma_start3A_28] : memref<2x128x128xf32, #tpu.memory_space<vmem>> -> memref<1x128x128xf32, #tpu.memory_space<vmem>>
    %dma_start3A_30 = tpu.memref_squeeze %dma_start3A_29 : memref<1x128x128xf32, #tpu.memory_space<vmem>> -> memref<128x128xf32, #tpu.memory_space<vmem>>
    %dma_start3A_31 = arith.constant 0 : i32
    %dma_start3A_32 = tpu.memref_slice %arg6[%dma_start3A_24, %dma_start3A_31] : memref<40x128xi32, #tpu.memory_space<vmem>> -> memref<1x128xi32, #tpu.memory_space<vmem>>
    %dma_start3A_33 = tpu.memref_squeeze %dma_start3A_32 : memref<1x128xi32, #tpu.memory_space<vmem>> -> memref<128xi32, #tpu.memory_space<vmem>>
    %dma_start3A_34 = arith.constant 0 : i32
    %dma_start3A_35 = arith.constant 0 : i32
    %dma_start3A_36 = tpu.memref_slice %arg2[%arg0, %dma_start3A_34, %dma_start3A_35] : memref<2x10240x128xf32, #tpu.memory_space<hbm>> -> memref<1x10240x128xf32, #tpu.memory_space<hbm>>
    %dma_start3A_37 = tpu.memref_squeeze %dma_start3A_36 : memref<1x10240x128xf32, #tpu.memory_space<hbm>> -> memref<10240x128xf32, #tpu.memory_space<hbm>>
    %dma_start3A_38 = arith.constant 0 : i32
    %dma_start3A_39 = arith.constant 0 : i32
    %dma_start3A_40 = tpu.memref_slice %dma_start3A_37[%dma_start3A_38, %dma_start3A_39] : memref<10240x128xf32, #tpu.memory_space<hbm>> -> memref<10240x128xf32, #tpu.memory_space<hbm>>
    %dma_start3A_41 = tpu.memref_slice %arg10[%dma_start3A_26] : memref<2x!tpu.dma_semaphore, #tpu.memory_space<semaphore_mem>> -> memref<1x!tpu.dma_semaphore, #tpu.memory_space<semaphore_mem>>
    %dma_start3A_42 = tpu.memref_squeeze %dma_start3A_41 : memref<1x!tpu.dma_semaphore, #tpu.memory_space<semaphore_mem>> -> memref<!tpu.dma_semaphore, #tpu.memory_space<semaphore_mem>>
    tpu.enqueue_indirect_dma source(%dma_start3A_40 : memref<10240x128xf32, #tpu.memory_space<hbm>>) target(%dma_start3A_30 : memref<128x128xf32, #tpu.memory_space<vmem>>) offsets(%dma_start3A_33 : memref<128xi32, #tpu.memory_space<vmem>>) semaphore(%dma_start3A_42 : memref<!tpu.dma_semaphore, #tpu.memory_space<semaphore_mem>>)
    %scan3A = arith.constant 0 : i32
    %scan3A_43 = arith.constant 0 : i32
    %scan3A_44 = arith.constant 19 : i32
    %scan3A_45 = arith.addi %scan3A_43, %scan3A_44 : i32
    %scan3A_46 = arith.constant 1 : i32
    scf.for %scan3A_181 = %scan3A_43 to %scan3A_45 step %scan3A_46  : i32 {
      %mul3A_182 = arith.constant 2 : i32
      %mul3A_183 = arith.muli %mul3A_182, %scan3A_181 : i32
      %dma_wait3A_184 = arith.constant 0 : i32
      %dma_wait3A_185 = arith.constant 0 : i32
      %dma_wait3A_186 = arith.constant 0 : i32
      %dma_wait3A_187 = arith.constant 0 : i32
      %dma_wait3A_188 = tpu.memref_slice %arg8[%dma_wait3A_184, %dma_wait3A_186, %dma_wait3A_187] : memref<2x128x128xf32, #tpu.memory_space<vmem>> -> memref<1x128x128xf32, #tpu.memory_space<vmem>>
      %dma_wait3A_189 = tpu.memref_squeeze %dma_wait3A_188 : memref<1x128x128xf32, #tpu.memory_space<vmem>> -> memref<128x128xf32, #tpu.memory_space<vmem>>
      %dma_wait3A_190 = arith.constant 0 : i32
      %dma_wait3A_191 = tpu.memref_slice %arg6[%mul3A_183, %dma_wait3A_190] : memref<40x128xi32, #tpu.memory_space<vmem>> -> memref<1x128xi32, #tpu.memory_space<vmem>>
      %dma_wait3A_192 = tpu.memref_squeeze %dma_wait3A_191 : memref<1x128xi32, #tpu.memory_space<vmem>> -> memref<128xi32, #tpu.memory_space<vmem>>
      %dma_wait3A_193 = arith.constant 0 : i32
      %dma_wait3A_194 = arith.constant 0 : i32
      %dma_wait3A_195 = tpu.memref_slice %arg2[%arg0, %dma_wait3A_193, %dma_wait3A_194] : memref<2x10240x128xf32, #tpu.memory_space<hbm>> -> memref<1x10240x128xf32, #tpu.memory_space<hbm>>
      %dma_wait3A_196 = tpu.memref_squeeze %dma_wait3A_195 : memref<1x10240x128xf32, #tpu.memory_space<hbm>> -> memref<10240x128xf32, #tpu.memory_space<hbm>>
      %dma_wait3A_197 = arith.constant 0 : i32
      %dma_wait3A_198 = arith.constant 0 : i32
      %dma_wait3A_199 = tpu.memref_slice %dma_wait3A_196[%dma_wait3A_197, %dma_wait3A_198] : memref<10240x128xf32, #tpu.memory_space<hbm>> -> memref<10240x128xf32, #tpu.memory_space<hbm>>
      %dma_wait3A_200 = tpu.memref_slice %arg10[%dma_wait3A_185] : memref<2x!tpu.dma_semaphore, #tpu.memory_space<semaphore_mem>> -> memref<1x!tpu.dma_semaphore, #tpu.memory_space<semaphore_mem>>
      %dma_wait3A_201 = tpu.memref_squeeze %dma_wait3A_200 : memref<1x!tpu.dma_semaphore, #tpu.memory_space<semaphore_mem>> -> memref<!tpu.dma_semaphore, #tpu.memory_space<semaphore_mem>>
      tpu.wait_indirect_dma semaphore(%dma_wait3A_201 : memref<!tpu.dma_semaphore, #tpu.memory_space<semaphore_mem>>) src(%dma_wait3A_199 : memref<10240x128xf32, #tpu.memory_space<hbm>>) dst(%dma_wait3A_189 : memref<128x128xf32, #tpu.memory_space<vmem>>)
      %run_scoped3A_202 = arith.constant 0 : i32
      "tpu.region"() ({
        %run_scoped3A_264 = tpu.sem_alloc : memref<!tpu.dma_semaphore, #tpu.memory_space<semaphore_mem>>
        %dma_start3A_265 = arith.constant 0 : i32
        %dma_start3A_266 = arith.constant 0 : i32
        %dma_start3A_267 = tpu.memref_slice %arg8[%run_scoped3A_202, %dma_start3A_265, %dma_start3A_266] : memref<2x128x128xf32, #tpu.memory_space<vmem>> -> memref<1x128x128xf32, #tpu.memory_space<vmem>>
        %dma_start3A_268 = tpu.memref_squeeze %dma_start3A_267 : memref<1x128x128xf32, #tpu.memory_space<vmem>> -> memref<128x128xf32, #tpu.memory_space<vmem>>
        %dma_start3A_269 = arith.constant 0 : i32
        %dma_start3A_270 = tpu.memref_slice %arg7[%mul3A_183, %dma_start3A_269] : memref<40x128xi32, #tpu.memory_space<vmem>> -> memref<1x128xi32, #tpu.memory_space<vmem>>
        %dma_start3A_271 = tpu.memref_squeeze %dma_start3A_270 : memref<1x128xi32, #tpu.memory_space<vmem>> -> memref<128xi32, #tpu.memory_space<vmem>>
        %dma_start3A_272 = arith.constant 0 : i32
        %dma_start3A_273 = arith.constant 0 : i32
        %dma_start3A_274 = tpu.memref_slice %arg9[%dma_start3A_272, %dma_start3A_273] : memref<10240x128xf32, #tpu.memory_space<vmem_shared>> -> memref<10240x128xf32, #tpu.memory_space<vmem_shared>>
        tpu.enqueue_indirect_dma source(%dma_start3A_268 : memref<128x128xf32, #tpu.memory_space<vmem>>) target(%dma_start3A_274 : memref<10240x128xf32, #tpu.memory_space<vmem_shared>>) offsets(%dma_start3A_271 : memref<128xi32, #tpu.memory_space<vmem>>) semaphore(%run_scoped3A_264 : memref<!tpu.dma_semaphore, #tpu.memory_space<semaphore_mem>>) {add = true}
        %dma_wait3A_275 = arith.constant 0 : i32
        %dma_wait3A_276 = arith.constant 0 : i32
        %dma_wait3A_277 = tpu.memref_slice %arg8[%run_scoped3A_202, %dma_wait3A_275, %dma_wait3A_276] : memref<2x128x128xf32, #tpu.memory_space<vmem>> -> memref<1x128x128xf32, #tpu.memory_space<vmem>>
        %dma_wait3A_278 = tpu.memref_squeeze %dma_wait3A_277 : memref<1x128x128xf32, #tpu.memory_space<vmem>> -> memref<128x128xf32, #tpu.memory_space<vmem>>
        %dma_wait3A_279 = arith.constant 0 : i32
        %dma_wait3A_280 = tpu.memref_slice %arg7[%mul3A_183, %dma_wait3A_279] : memref<40x128xi32, #tpu.memory_space<vmem>> -> memref<1x128xi32, #tpu.memory_space<vmem>>
        %dma_wait3A_281 = tpu.memref_squeeze %dma_wait3A_280 : memref<1x128xi32, #tpu.memory_space<vmem>> -> memref<128xi32, #tpu.memory_space<vmem>>
        %dma_wait3A_282 = arith.constant 0 : i32
        %dma_wait3A_283 = arith.constant 0 : i32
        %dma_wait3A_284 = tpu.memref_slice %arg9[%dma_wait3A_282, %dma_wait3A_283] : memref<10240x128xf32, #tpu.memory_space<vmem_shared>> -> memref<10240x128xf32, #tpu.memory_space<vmem_shared>>
        tpu.wait_indirect_dma semaphore(%run_scoped3A_264 : memref<!tpu.dma_semaphore, #tpu.memory_space<semaphore_mem>>) src(%dma_wait3A_278 : memref<128x128xf32, #tpu.memory_space<vmem>>) dst(%dma_wait3A_284 : memref<10240x128xf32, #tpu.memory_space<vmem_shared>>)
        tpu.yield
      }) : () -> ()
      %add3A_203 = arith.constant 2 : i32
      %add3A_204 = arith.addi %mul3A_183, %add3A_203 : i32
      %dma_start3A_205 = arith.constant 0 : i32
      %dma_start3A_206 = arith.constant 0 : i32
      %dma_start3A_207 = arith.constant 0 : i32
      %dma_start3A_208 = arith.constant 0 : i32
      %dma_start3A_209 = tpu.memref_slice %arg8[%dma_start3A_205, %dma_start3A_207, %dma_start3A_208] : memref<2x128x128xf32, #tpu.memory_space<vmem>> -> memref<1x128x128xf32, #tpu.memory_space<vmem>>
      %dma_start3A_210 = tpu.memref_squeeze %dma_start3A_209 : memref<1x128x128xf32, #tpu.memory_space<vmem>> -> memref<128x128xf32, #tpu.memory_space<vmem>>
      %dma_start3A_211 = arith.constant 0 : i32
      %dma_start3A_212 = tpu.memref_slice %arg6[%add3A_204, %dma_start3A_211] : memref<40x128xi32, #tpu.memory_space<vmem>> -> memref<1x128xi32, #tpu.memory_space<vmem>>
      %dma_start3A_213 = tpu.memref_squeeze %dma_start3A_212 : memref<1x128xi32, #tpu.memory_space<vmem>> -> memref<128xi32, #tpu.memory_space<vmem>>
      %dma_start3A_214 = arith.constant 0 : i32
      %dma_start3A_215 = arith.constant 0 : i32
      %dma_start3A_216 = tpu.memref_slice %arg2[%arg0, %dma_start3A_214, %dma_start3A_215] : memref<2x10240x128xf32, #tpu.memory_space<hbm>> -> memref<1x10240x128xf32, #tpu.memory_space<hbm>>
      %dma_start3A_217 = tpu.memref_squeeze %dma_start3A_216 : memref<1x10240x128xf32, #tpu.memory_space<hbm>> -> memref<10240x128xf32, #tpu.memory_space<hbm>>
      %dma_start3A_218 = arith.constant 0 : i32
      %dma_start3A_219 = arith.constant 0 : i32
      %dma_start3A_220 = tpu.memref_slice %dma_start3A_217[%dma_start3A_218, %dma_start3A_219] : memref<10240x128xf32, #tpu.memory_space<hbm>> -> memref<10240x128xf32, #tpu.memory_space<hbm>>
      %dma_start3A_221 = tpu.memref_slice %arg10[%dma_start3A_206] : memref<2x!tpu.dma_semaphore, #tpu.memory_space<semaphore_mem>> -> memref<1x!tpu.dma_semaphore, #tpu.memory_space<semaphore_mem>>
      %dma_start3A_222 = tpu.memref_squeeze %dma_start3A_221 : memref<1x!tpu.dma_semaphore, #tpu.memory_space<semaphore_mem>> -> memref<!tpu.dma_semaphore, #tpu.memory_space<semaphore_mem>>
      tpu.enqueue_indirect_dma source(%dma_start3A_220 : memref<10240x128xf32, #tpu.memory_space<hbm>>) target(%dma_start3A_210 : memref<128x128xf32, #tpu.memory_space<vmem>>) offsets(%dma_start3A_213 : memref<128xi32, #tpu.memory_space<vmem>>) semaphore(%dma_start3A_222 : memref<!tpu.dma_semaphore, #tpu.memory_space<semaphore_mem>>)
      %add3A_223 = arith.constant 1 : i32
      %add3A_224 = arith.addi %mul3A_183, %add3A_223 : i32
      %dma_wait3A_225 = arith.constant 1 : i32
      %dma_wait3A_226 = arith.constant 1 : i32
      %dma_wait3A_227 = arith.constant 0 : i32
      %dma_wait3A_228 = arith.constant 0 : i32
      %dma_wait3A_229 = tpu.memref_slice %arg8[%dma_wait3A_225, %dma_wait3A_227, %dma_wait3A_228] : memref<2x128x128xf32, #tpu.memory_space<vmem>> -> memref<1x128x128xf32, #tpu.memory_space<vmem>>
      %dma_wait3A_230 = tpu.memref_squeeze %dma_wait3A_229 : memref<1x128x128xf32, #tpu.memory_space<vmem>> -> memref<128x128xf32, #tpu.memory_space<vmem>>
      %dma_wait3A_231 = arith.constant 0 : i32
      %dma_wait3A_232 = tpu.memref_slice %arg6[%add3A_224, %dma_wait3A_231] : memref<40x128xi32, #tpu.memory_space<vmem>> -> memref<1x128xi32, #tpu.memory_space<vmem>>
      %dma_wait3A_233 = tpu.memref_squeeze %dma_wait3A_232 : memref<1x128xi32, #tpu.memory_space<vmem>> -> memref<128xi32, #tpu.memory_space<vmem>>
      %dma_wait3A_234 = arith.constant 0 : i32
      %dma_wait3A_235 = arith.constant 0 : i32
      %dma_wait3A_236 = tpu.memref_slice %arg2[%arg0, %dma_wait3A_234, %dma_wait3A_235] : memref<2x10240x128xf32, #tpu.memory_space<hbm>> -> memref<1x10240x128xf32, #tpu.memory_space<hbm>>
      %dma_wait3A_237 = tpu.memref_squeeze %dma_wait3A_236 : memref<1x10240x128xf32, #tpu.memory_space<hbm>> -> memref<10240x128xf32, #tpu.memory_space<hbm>>
      %dma_wait3A_238 = arith.constant 0 : i32
      %dma_wait3A_239 = arith.constant 0 : i32
      %dma_wait3A_240 = tpu.memref_slice %dma_wait3A_237[%dma_wait3A_238, %dma_wait3A_239] : memref<10240x128xf32, #tpu.memory_space<hbm>> -> memref<10240x128xf32, #tpu.memory_space<hbm>>
      %dma_wait3A_241 = tpu.memref_slice %arg10[%dma_wait3A_226] : memref<2x!tpu.dma_semaphore, #tpu.memory_space<semaphore_mem>> -> memref<1x!tpu.dma_semaphore, #tpu.memory_space<semaphore_mem>>
      %dma_wait3A_242 = tpu.memref_squeeze %dma_wait3A_241 : memref<1x!tpu.dma_semaphore, #tpu.memory_space<semaphore_mem>> -> memref<!tpu.dma_semaphore, #tpu.memory_space<semaphore_mem>>
      tpu.wait_indirect_dma semaphore(%dma_wait3A_242 : memref<!tpu.dma_semaphore, #tpu.memory_space<semaphore_mem>>) src(%dma_wait3A_240 : memref<10240x128xf32, #tpu.memory_space<hbm>>) dst(%dma_wait3A_230 : memref<128x128xf32, #tpu.memory_space<vmem>>)
      %run_scoped3A_243 = arith.constant 1 : i32
      "tpu.region"() ({
        %run_scoped3A_264 = tpu.sem_alloc : memref<!tpu.dma_semaphore, #tpu.memory_space<semaphore_mem>>
        %dma_start3A_265 = arith.constant 0 : i32
        %dma_start3A_266 = arith.constant 0 : i32
        %dma_start3A_267 = tpu.memref_slice %arg8[%run_scoped3A_243, %dma_start3A_265, %dma_start3A_266] : memref<2x128x128xf32, #tpu.memory_space<vmem>> -> memref<1x128x128xf32, #tpu.memory_space<vmem>>
        %dma_start3A_268 = tpu.memref_squeeze %dma_start3A_267 : memref<1x128x128xf32, #tpu.memory_space<vmem>> -> memref<128x128xf32, #tpu.memory_space<vmem>>
        %dma_start3A_269 = arith.constant 0 : i32
        %dma_start3A_270 = tpu.memref_slice %arg7[%add3A_224, %dma_start3A_269] : memref<40x128xi32, #tpu.memory_space<vmem>> -> memref<1x128xi32, #tpu.memory_space<vmem>>
        %dma_start3A_271 = tpu.memref_squeeze %dma_start3A_270 : memref<1x128xi32, #tpu.memory_space<vmem>> -> memref<128xi32, #tpu.memory_space<vmem>>
        %dma_start3A_272 = arith.constant 0 : i32
        %dma_start3A_273 = arith.constant 0 : i32
        %dma_start3A_274 = tpu.memref_slice %arg9[%dma_start3A_272, %dma_start3A_273] : memref<10240x128xf32, #tpu.memory_space<vmem_shared>> -> memref<10240x128xf32, #tpu.memory_space<vmem_shared>>
        tpu.enqueue_indirect_dma source(%dma_start3A_268 : memref<128x128xf32, #tpu.memory_space<vmem>>) target(%dma_start3A_274 : memref<10240x128xf32, #tpu.memory_space<vmem_shared>>) offsets(%dma_start3A_271 : memref<128xi32, #tpu.memory_space<vmem>>) semaphore(%run_scoped3A_264 : memref<!tpu.dma_semaphore, #tpu.memory_space<semaphore_mem>>) {add = true}
        %dma_wait3A_275 = arith.constant 0 : i32
        %dma_wait3A_276 = arith.constant 0 : i32
        %dma_wait3A_277 = tpu.memref_slice %arg8[%run_scoped3A_243, %dma_wait3A_275, %dma_wait3A_276] : memref<2x128x128xf32, #tpu.memory_space<vmem>> -> memref<1x128x128xf32, #tpu.memory_space<vmem>>
        %dma_wait3A_278 = tpu.memref_squeeze %dma_wait3A_277 : memref<1x128x128xf32, #tpu.memory_space<vmem>> -> memref<128x128xf32, #tpu.memory_space<vmem>>
        %dma_wait3A_279 = arith.constant 0 : i32
        %dma_wait3A_280 = tpu.memref_slice %arg7[%add3A_224, %dma_wait3A_279] : memref<40x128xi32, #tpu.memory_space<vmem>> -> memref<1x128xi32, #tpu.memory_space<vmem>>
        %dma_wait3A_281 = tpu.memref_squeeze %dma_wait3A_280 : memref<1x128xi32, #tpu.memory_space<vmem>> -> memref<128xi32, #tpu.memory_space<vmem>>
        %dma_wait3A_282 = arith.constant 0 : i32
        %dma_wait3A_283 = arith.constant 0 : i32
        %dma_wait3A_284 = tpu.memref_slice %arg9[%dma_wait3A_282, %dma_wait3A_283] : memref<10240x128xf32, #tpu.memory_space<vmem_shared>> -> memref<10240x128xf32, #tpu.memory_space<vmem_shared>>
        tpu.wait_indirect_dma semaphore(%run_scoped3A_264 : memref<!tpu.dma_semaphore, #tpu.memory_space<semaphore_mem>>) src(%dma_wait3A_278 : memref<128x128xf32, #tpu.memory_space<vmem>>) dst(%dma_wait3A_284 : memref<10240x128xf32, #tpu.memory_space<vmem_shared>>)
        tpu.yield
      }) : () -> ()
      %add3A_244 = arith.constant 2 : i32
      %add3A_245 = arith.addi %add3A_224, %add3A_244 : i32
      %dma_start3A_246 = arith.constant 1 : i32
      %dma_start3A_247 = arith.constant 1 : i32
      %dma_start3A_248 = arith.constant 0 : i32
      %dma_start3A_249 = arith.constant 0 : i32
      %dma_start3A_250 = tpu.memref_slice %arg8[%dma_start3A_246, %dma_start3A_248, %dma_start3A_249] : memref<2x128x128xf32, #tpu.memory_space<vmem>> -> memref<1x128x128xf32, #tpu.memory_space<vmem>>
      %dma_start3A_251 = tpu.memref_squeeze %dma_start3A_250 : memref<1x128x128xf32, #tpu.memory_space<vmem>> -> memref<128x128xf32, #tpu.memory_space<vmem>>
      %dma_start3A_252 = arith.constant 0 : i32
      %dma_start3A_253 = tpu.memref_slice %arg6[%add3A_245, %dma_start3A_252] : memref<40x128xi32, #tpu.memory_space<vmem>> -> memref<1x128xi32, #tpu.memory_space<vmem>>
      %dma_start3A_254 = tpu.memref_squeeze %dma_start3A_253 : memref<1x128xi32, #tpu.memory_space<vmem>> -> memref<128xi32, #tpu.memory_space<vmem>>
      %dma_start3A_255 = arith.constant 0 : i32
      %dma_start3A_256 = arith.constant 0 : i32
      %dma_start3A_257 = tpu.memref_slice %arg2[%arg0, %dma_start3A_255, %dma_start3A_256] : memref<2x10240x128xf32, #tpu.memory_space<hbm>> -> memref<1x10240x128xf32, #tpu.memory_space<hbm>>
      %dma_start3A_258 = tpu.memref_squeeze %dma_start3A_257 : memref<1x10240x128xf32, #tpu.memory_space<hbm>> -> memref<10240x128xf32, #tpu.memory_space<hbm>>
      %dma_start3A_259 = arith.constant 0 : i32
      %dma_start3A_260 = arith.constant 0 : i32
      %dma_start3A_261 = tpu.memref_slice %dma_start3A_258[%dma_start3A_259, %dma_start3A_260] : memref<10240x128xf32, #tpu.memory_space<hbm>> -> memref<10240x128xf32, #tpu.memory_space<hbm>>
      %dma_start3A_262 = tpu.memref_slice %arg10[%dma_start3A_247] : memref<2x!tpu.dma_semaphore, #tpu.memory_space<semaphore_mem>> -> memref<1x!tpu.dma_semaphore, #tpu.memory_space<semaphore_mem>>
      %dma_start3A_263 = tpu.memref_squeeze %dma_start3A_262 : memref<1x!tpu.dma_semaphore, #tpu.memory_space<semaphore_mem>> -> memref<!tpu.dma_semaphore, #tpu.memory_space<semaphore_mem>>
      tpu.enqueue_indirect_dma source(%dma_start3A_261 : memref<10240x128xf32, #tpu.memory_space<hbm>>) target(%dma_start3A_251 : memref<128x128xf32, #tpu.memory_space<vmem>>) offsets(%dma_start3A_254 : memref<128xi32, #tpu.memory_space<vmem>>) semaphore(%dma_start3A_263 : memref<!tpu.dma_semaphore, #tpu.memory_space<semaphore_mem>>)
    }
    %scan3A_47 = arith.constant 19 : i32
    %dma_wait3A = arith.constant 38 : i32
    %dma_wait3A_48 = arith.constant 0 : i32
    %dma_wait3A_49 = arith.constant 0 : i32
    %dma_wait3A_50 = arith.constant 0 : i32
    %dma_wait3A_51 = arith.constant 0 : i32
    %dma_wait3A_52 = tpu.memref_slice %arg8[%dma_wait3A_48, %dma_wait3A_50, %dma_wait3A_51] : memref<2x128x128xf32, #tpu.memory_space<vmem>> -> memref<1x128x128xf32, #tpu.memory_space<vmem>>
    %dma_wait3A_53 = tpu.memref_squeeze %dma_wait3A_52 : memref<1x128x128xf32, #tpu.memory_space<vmem>> -> memref<128x128xf32, #tpu.memory_space<vmem>>
    %dma_wait3A_54 = arith.constant 0 : i32
    %dma_wait3A_55 = tpu.memref_slice %arg6[%dma_wait3A, %dma_wait3A_54] : memref<40x128xi32, #tpu.memory_space<vmem>> -> memref<1x128xi32, #tpu.memory_space<vmem>>
    %dma_wait3A_56 = tpu.memref_squeeze %dma_wait3A_55 : memref<1x128xi32, #tpu.memory_space<vmem>> -> memref<128xi32, #tpu.memory_space<vmem>>
    %dma_wait3A_57 = arith.constant 0 : i32
    %dma_wait3A_58 = arith.constant 0 : i32
    %dma_wait3A_59 = tpu.memref_slice %arg2[%arg0, %dma_wait3A_57, %dma_wait3A_58] : memref<2x10240x128xf32, #tpu.memory_space<hbm>> -> memref<1x10240x128xf32, #tpu.memory_space<hbm>>
    %dma_wait3A_60 = tpu.memref_squeeze %dma_wait3A_59 : memref<1x10240x128xf32, #tpu.memory_space<hbm>> -> memref<10240x128xf32, #tpu.memory_space<hbm>>
    %dma_wait3A_61 = arith.constant 0 : i32
    %dma_wait3A_62 = arith.constant 0 : i32
    %dma_wait3A_63 = tpu.memref_slice %dma_wait3A_60[%dma_wait3A_61, %dma_wait3A_62] : memref<10240x128xf32, #tpu.memory_space<hbm>> -> memref<10240x128xf32, #tpu.memory_space<hbm>>
    %dma_wait3A_64 = tpu.memref_slice %arg10[%dma_wait3A_49] : memref<2x!tpu.dma_semaphore, #tpu.memory_space<semaphore_mem>> -> memref<1x!tpu.dma_semaphore, #tpu.memory_space<semaphore_mem>>
    %dma_wait3A_65 = tpu.memref_squeeze %dma_wait3A_64 : memref<1x!tpu.dma_semaphore, #tpu.memory_space<semaphore_mem>> -> memref<!tpu.dma_semaphore, #tpu.memory_space<semaphore_mem>>
    tpu.wait_indirect_dma semaphore(%dma_wait3A_65 : memref<!tpu.dma_semaphore, #tpu.memory_space<semaphore_mem>>) src(%dma_wait3A_63 : memref<10240x128xf32, #tpu.memory_space<hbm>>) dst(%dma_wait3A_53 : memref<128x128xf32, #tpu.memory_space<vmem>>)
    %run_scoped3A = arith.constant 0 : i32
    %run_scoped3A_66 = arith.constant 38 : i32
    "tpu.region"() ({
      %run_scoped3A_181 = tpu.sem_alloc : memref<!tpu.dma_semaphore, #tpu.memory_space<semaphore_mem>>
      %dma_start3A_182 = arith.constant 0 : i32
      %dma_start3A_183 = arith.constant 0 : i32
      %dma_start3A_184 = tpu.memref_slice %arg8[%run_scoped3A, %dma_start3A_182, %dma_start3A_183] : memref<2x128x128xf32, #tpu.memory_space<vmem>> -> memref<1x128x128xf32, #tpu.memory_space<vmem>>
      %dma_start3A_185 = tpu.memref_squeeze %dma_start3A_184 : memref<1x128x128xf32, #tpu.memory_space<vmem>> -> memref<128x128xf32, #tpu.memory_space<vmem>>
      %dma_start3A_186 = arith.constant 0 : i32
      %dma_start3A_187 = tpu.memref_slice %arg7[%run_scoped3A_66, %dma_start3A_186] : memref<40x128xi32, #tpu.memory_space<vmem>> -> memref<1x128xi32, #tpu.memory_space<vmem>>
      %dma_start3A_188 = tpu.memref_squeeze %dma_start3A_187 : memref<1x128xi32, #tpu.memory_space<vmem>> -> memref<128xi32, #tpu.memory_space<vmem>>
      %dma_start3A_189 = arith.constant 0 : i32
      %dma_start3A_190 = arith.constant 0 : i32
      %dma_start3A_191 = tpu.memref_slice %arg9[%dma_start3A_189, %dma_start3A_190] : memref<10240x128xf32, #tpu.memory_space<vmem_shared>> -> memref<10240x128xf32, #tpu.memory_space<vmem_shared>>
      tpu.enqueue_indirect_dma source(%dma_start3A_185 : memref<128x128xf32, #tpu.memory_space<vmem>>) target(%dma_start3A_191 : memref<10240x128xf32, #tpu.memory_space<vmem_shared>>) offsets(%dma_start3A_188 : memref<128xi32, #tpu.memory_space<vmem>>) semaphore(%run_scoped3A_181 : memref<!tpu.dma_semaphore, #tpu.memory_space<semaphore_mem>>) {add = true}
      %dma_wait3A_192 = arith.constant 0 : i32
      %dma_wait3A_193 = arith.constant 0 : i32
      %dma_wait3A_194 = tpu.memref_slice %arg8[%run_scoped3A, %dma_wait3A_192, %dma_wait3A_193] : memref<2x128x128xf32, #tpu.memory_space<vmem>> -> memref<1x128x128xf32, #tpu.memory_space<vmem>>
      %dma_wait3A_195 = tpu.memref_squeeze %dma_wait3A_194 : memref<1x128x128xf32, #tpu.memory_space<vmem>> -> memref<128x128xf32, #tpu.memory_space<vmem>>
      %dma_wait3A_196 = arith.constant 0 : i32
      %dma_wait3A_197 = tpu.memref_slice %arg7[%run_scoped3A_66, %dma_wait3A_196] : memref<40x128xi32, #tpu.memory_space<vmem>> -> memref<1x128xi32, #tpu.memory_space<vmem>>
      %dma_wait3A_198 = tpu.memref_squeeze %dma_wait3A_197 : memref<1x128xi32, #tpu.memory_space<vmem>> -> memref<128xi32, #tpu.memory_space<vmem>>
      %dma_wait3A_199 = arith.constant 0 : i32
      %dma_wait3A_200 = arith.constant 0 : i32
      %dma_wait3A_201 = tpu.memref_slice %arg9[%dma_wait3A_199, %dma_wait3A_200] : memref<10240x128xf32, #tpu.memory_space<vmem_shared>> -> memref<10240x128xf32, #tpu.memory_space<vmem_shared>>
      tpu.wait_indirect_dma semaphore(%run_scoped3A_181 : memref<!tpu.dma_semaphore, #tpu.memory_space<semaphore_mem>>) src(%dma_wait3A_195 : memref<128x128xf32, #tpu.memory_space<vmem>>) dst(%dma_wait3A_201 : memref<10240x128xf32, #tpu.memory_space<vmem_shared>>)
      tpu.yield
    }) : () -> ()
    %dma_wait3A_67 = arith.constant 39 : i32
    %dma_wait3A_68 = arith.constant 1 : i32
    %dma_wait3A_69 = arith.constant 1 : i32
    %dma_wait3A_70 = arith.constant 0 : i32
    %dma_wait3A_71 = arith.constant 0 : i32
    %dma_wait3A_72 = tpu.memref_slice %arg8[%dma_wait3A_68, %dma_wait3A_70, %dma_wait3A_71] : memref<2x128x128xf32, #tpu.memory_space<vmem>> -> memref<1x128x128xf32, #tpu.memory_space<vmem>>
    %dma_wait3A_73 = tpu.memref_squeeze %dma_wait3A_72 : memref<1x128x128xf32, #tpu.memory_space<vmem>> -> memref<128x128xf32, #tpu.memory_space<vmem>>
    %dma_wait3A_74 = arith.constant 0 : i32
    %dma_wait3A_75 = tpu.memref_slice %arg6[%dma_wait3A_67, %dma_wait3A_74] : memref<40x128xi32, #tpu.memory_space<vmem>> -> memref<1x128xi32, #tpu.memory_space<vmem>>
    %dma_wait3A_76 = tpu.memref_squeeze %dma_wait3A_75 : memref<1x128xi32, #tpu.memory_space<vmem>> -> memref<128xi32, #tpu.memory_space<vmem>>
    %dma_wait3A_77 = arith.constant 0 : i32
    %dma_wait3A_78 = arith.constant 0 : i32
    %dma_wait3A_79 = tpu.memref_slice %arg2[%arg0, %dma_wait3A_77, %dma_wait3A_78] : memref<2x10240x128xf32, #tpu.memory_space<hbm>> -> memref<1x10240x128xf32, #tpu.memory_space<hbm>>
    %dma_wait3A_80 = tpu.memref_squeeze %dma_wait3A_79 : memref<1x10240x128xf32, #tpu.memory_space<hbm>> -> memref<10240x128xf32, #tpu.memory_space<hbm>>
    %dma_wait3A_81 = arith.constant 0 : i32
    %dma_wait3A_82 = arith.constant 0 : i32
    %dma_wait3A_83 = tpu.memref_slice %dma_wait3A_80[%dma_wait3A_81, %dma_wait3A_82] : memref<10240x128xf32, #tpu.memory_space<hbm>> -> memref<10240x128xf32, #tpu.memory_space<hbm>>
    %dma_wait3A_84 = tpu.memref_slice %arg10[%dma_wait3A_69] : memref<2x!tpu.dma_semaphore, #tpu.memory_space<semaphore_mem>> -> memref<1x!tpu.dma_semaphore, #tpu.memory_space<semaphore_mem>>
    %dma_wait3A_85 = tpu.memref_squeeze %dma_wait3A_84 : memref<1x!tpu.dma_semaphore, #tpu.memory_space<semaphore_mem>> -> memref<!tpu.dma_semaphore, #tpu.memory_space<semaphore_mem>>
    tpu.wait_indirect_dma semaphore(%dma_wait3A_85 : memref<!tpu.dma_semaphore, #tpu.memory_space<semaphore_mem>>) src(%dma_wait3A_83 : memref<10240x128xf32, #tpu.memory_space<hbm>>) dst(%dma_wait3A_73 : memref<128x128xf32, #tpu.memory_space<vmem>>)
    %run_scoped3A_86 = arith.constant 1 : i32
    %run_scoped3A_87 = arith.constant 39 : i32
    "tpu.region"() ({
      %run_scoped3A_181 = tpu.sem_alloc : memref<!tpu.dma_semaphore, #tpu.memory_space<semaphore_mem>>
      %dma_start3A_182 = arith.constant 0 : i32
      %dma_start3A_183 = arith.constant 0 : i32
      %dma_start3A_184 = tpu.memref_slice %arg8[%run_scoped3A_86, %dma_start3A_182, %dma_start3A_183] : memref<2x128x128xf32, #tpu.memory_space<vmem>> -> memref<1x128x128xf32, #tpu.memory_space<vmem>>
      %dma_start3A_185 = tpu.memref_squeeze %dma_start3A_184 : memref<1x128x128xf32, #tpu.memory_space<vmem>> -> memref<128x128xf32, #tpu.memory_space<vmem>>
      %dma_start3A_186 = arith.constant 0 : i32
      %dma_start3A_187 = tpu.memref_slice %arg7[%run_scoped3A_87, %dma_start3A_186] : memref<40x128xi32, #tpu.memory_space<vmem>> -> memref<1x128xi32, #tpu.memory_space<vmem>>
      %dma_start3A_188 = tpu.memref_squeeze %dma_start3A_187 : memref<1x128xi32, #tpu.memory_space<vmem>> -> memref<128xi32, #tpu.memory_space<vmem>>
      %dma_start3A_189 = arith.constant 0 : i32
      %dma_start3A_190 = arith.constant 0 : i32
      %dma_start3A_191 = tpu.memref_slice %arg9[%dma_start3A_189, %dma_start3A_190] : memref<10240x128xf32, #tpu.memory_space<vmem_shared>> -> memref<10240x128xf32, #tpu.memory_space<vmem_shared>>
      tpu.enqueue_indirect_dma source(%dma_start3A_185 : memref<128x128xf32, #tpu.memory_space<vmem>>) target(%dma_start3A_191 : memref<10240x128xf32, #tpu.memory_space<vmem_shared>>) offsets(%dma_start3A_188 : memref<128xi32, #tpu.memory_space<vmem>>) semaphore(%run_scoped3A_181 : memref<!tpu.dma_semaphore, #tpu.memory_space<semaphore_mem>>) {add = true}
      %dma_wait3A_192 = arith.constant 0 : i32
      %dma_wait3A_193 = arith.constant 0 : i32
      %dma_wait3A_194 = tpu.memref_slice %arg8[%run_scoped3A_86, %dma_wait3A_192, %dma_wait3A_193] : memref<2x128x128xf32, #tpu.memory_space<vmem>> -> memref<1x128x128xf32, #tpu.memory_space<vmem>>
      %dma_wait3A_195 = tpu.memref_squeeze %dma_wait3A_194 : memref<1x128x128xf32, #tpu.memory_space<vmem>> -> memref<128x128xf32, #tpu.memory_space<vmem>>
      %dma_wait3A_196 = arith.constant 0 : i32
      %dma_wait3A_197 = tpu.memref_slice %arg7[%run_scoped3A_87, %dma_wait3A_196] : memref<40x128xi32, #tpu.memory_space<vmem>> -> memref<1x128xi32, #tpu.memory_space<vmem>>
      %dma_wait3A_198 = tpu.memref_squeeze %dma_wait3A_197 : memref<1x128xi32, #tpu.memory_space<vmem>> -> memref<128xi32, #tpu.memory_space<vmem>>
      %dma_wait3A_199 = arith.constant 0 : i32
      %dma_wait3A_200 = arith.constant 0 : i32
      %dma_wait3A_201 = tpu.memref_slice %arg9[%dma_wait3A_199, %dma_wait3A_200] : memref<10240x128xf32, #tpu.memory_space<vmem_shared>> -> memref<10240x128xf32, #tpu.memory_space<vmem_shared>>
      tpu.wait_indirect_dma semaphore(%run_scoped3A_181 : memref<!tpu.dma_semaphore, #tpu.memory_space<semaphore_mem>>) src(%dma_wait3A_195 : memref<128x128xf32, #tpu.memory_space<vmem>>) dst(%dma_wait3A_201 : memref<10240x128xf32, #tpu.memory_space<vmem_shared>>)
      tpu.yield
    }) : () -> ()
    %mul3A_88 = arith.constant 2 : i32
    %mul3A_89 = arith.muli %arg1, %mul3A_88 : i32
    %add3A_90 = arith.constant 1 : i32
    %add3A_91 = arith.addi %mul3A_89, %add3A_90 : i32
    %mul3A_92 = arith.constant 40 : i32
    %mul3A_93 = arith.muli %add3A_91, %mul3A_92 : i32
    "tpu.region"() ({
      %run_scoped3A_181 = tpu.sem_alloc : memref<!tpu.dma_semaphore, #tpu.memory_space<semaphore_mem>>
      %dma_start3A_182 = arith.constant 0 : i32
      %dma_start3A_183 = tpu.memref_slice %arg3[%mul3A_93, %dma_start3A_182] : memref<1280x128xi32, #tpu.memory_space<hbm>> -> memref<40x128xi32, #tpu.memory_space<hbm>>
      %dma_start3A_184 = arith.constant 0 : i32
      %dma_start3A_185 = tpu.memref_slice %arg3[%mul3A_93, %dma_start3A_184] : memref<1280x128xi32, #tpu.memory_space<hbm>> -> memref<40x128xi32, #tpu.memory_space<hbm>>
      tpu.enqueue_dma source(%dma_start3A_185 : memref<40x128xi32, #tpu.memory_space<hbm>>) target(%arg6 : memref<40x128xi32, #tpu.memory_space<vmem>>) target_semaphore(%run_scoped3A_181 : memref<!tpu.dma_semaphore, #tpu.memory_space<semaphore_mem>>)
      %dma_wait3A_186 = arith.constant 0 : i32
      %dma_wait3A_187 = tpu.memref_slice %arg3[%mul3A_93, %dma_wait3A_186] : memref<1280x128xi32, #tpu.memory_space<hbm>> -> memref<40x128xi32, #tpu.memory_space<hbm>>
      %dma_wait3A_188 = arith.constant 0 : i32
      %dma_wait3A_189 = tpu.memref_slice %arg3[%mul3A_93, %dma_wait3A_188] : memref<1280x128xi32, #tpu.memory_space<hbm>> -> memref<40x128xi32, #tpu.memory_space<hbm>>
      tpu.wait_dma2 semaphore(%run_scoped3A_181 : memref<!tpu.dma_semaphore, #tpu.memory_space<semaphore_mem>>) src(%dma_wait3A_189 : memref<40x128xi32, #tpu.memory_space<hbm>>) dst(%arg6 : memref<40x128xi32, #tpu.memory_space<vmem>>)
      tpu.yield
    }) : () -> ()
    "tpu.region"() ({
      %run_scoped3A_181 = tpu.sem_alloc : memref<!tpu.dma_semaphore, #tpu.memory_space<semaphore_mem>>
      %dma_start3A_182 = arith.constant 0 : i32
      %dma_start3A_183 = tpu.memref_slice %arg4[%mul3A_93, %dma_start3A_182] : memref<1280x128xi32, #tpu.memory_space<hbm>> -> memref<40x128xi32, #tpu.memory_space<hbm>>
      %dma_start3A_184 = arith.constant 0 : i32
      %dma_start3A_185 = tpu.memref_slice %arg4[%mul3A_93, %dma_start3A_184] : memref<1280x128xi32, #tpu.memory_space<hbm>> -> memref<40x128xi32, #tpu.memory_space<hbm>>
      tpu.enqueue_dma source(%dma_start3A_185 : memref<40x128xi32, #tpu.memory_space<hbm>>) target(%arg7 : memref<40x128xi32, #tpu.memory_space<vmem>>) target_semaphore(%run_scoped3A_181 : memref<!tpu.dma_semaphore, #tpu.memory_space<semaphore_mem>>)
      %dma_wait3A_186 = arith.constant 0 : i32
      %dma_wait3A_187 = tpu.memref_slice %arg4[%mul3A_93, %dma_wait3A_186] : memref<1280x128xi32, #tpu.memory_space<hbm>> -> memref<40x128xi32, #tpu.memory_space<hbm>>
      %dma_wait3A_188 = arith.constant 0 : i32
      %dma_wait3A_189 = tpu.memref_slice %arg4[%mul3A_93, %dma_wait3A_188] : memref<1280x128xi32, #tpu.memory_space<hbm>> -> memref<40x128xi32, #tpu.memory_space<hbm>>
      tpu.wait_dma2 semaphore(%run_scoped3A_181 : memref<!tpu.dma_semaphore, #tpu.memory_space<semaphore_mem>>) src(%dma_wait3A_189 : memref<40x128xi32, #tpu.memory_space<hbm>>) dst(%arg7 : memref<40x128xi32, #tpu.memory_space<vmem>>)
      tpu.yield
    }) : () -> ()
    %dma_start3A_94 = arith.constant 0 : i32
    %dma_start3A_95 = arith.constant 0 : i32
    %dma_start3A_96 = arith.constant 0 : i32
    %dma_start3A_97 = arith.constant 0 : i32
    %dma_start3A_98 = arith.constant 0 : i32
    %dma_start3A_99 = tpu.memref_slice %arg8[%dma_start3A_95, %dma_start3A_97, %dma_start3A_98] : memref<2x128x128xf32, #tpu.memory_space<vmem>> -> memref<1x128x128xf32, #tpu.memory_space<vmem>>
    %dma_start3A_100 = tpu.memref_squeeze %dma_start3A_99 : memref<1x128x128xf32, #tpu.memory_space<vmem>> -> memref<128x128xf32, #tpu.memory_space<vmem>>
    %dma_start3A_101 = arith.constant 0 : i32
    %dma_start3A_102 = tpu.memref_slice %arg6[%dma_start3A_94, %dma_start3A_101] : memref<40x128xi32, #tpu.memory_space<vmem>> -> memref<1x128xi32, #tpu.memory_space<vmem>>
    %dma_start3A_103 = tpu.memref_squeeze %dma_start3A_102 : memref<1x128xi32, #tpu.memory_space<vmem>> -> memref<128xi32, #tpu.memory_space<vmem>>
    %dma_start3A_104 = arith.constant 0 : i32
    %dma_start3A_105 = arith.constant 0 : i32
    %dma_start3A_106 = tpu.memref_slice %arg2[%arg0, %dma_start3A_104, %dma_start3A_105] : memref<2x10240x128xf32, #tpu.memory_space<hbm>> -> memref<1x10240x128xf32, #tpu.memory_space<hbm>>
    %dma_start3A_107 = tpu.memref_squeeze %dma_start3A_106 : memref<1x10240x128xf32, #tpu.memory_space<hbm>> -> memref<10240x128xf32, #tpu.memory_space<hbm>>
    %dma_start3A_108 = arith.constant 0 : i32
    %dma_start3A_109 = arith.constant 0 : i32
    %dma_start3A_110 = tpu.memref_slice %dma_start3A_107[%dma_start3A_108, %dma_start3A_109] : memref<10240x128xf32, #tpu.memory_space<hbm>> -> memref<10240x128xf32, #tpu.memory_space<hbm>>
    %dma_start3A_111 = tpu.memref_slice %arg10[%dma_start3A_96] : memref<2x!tpu.dma_semaphore, #tpu.memory_space<semaphore_mem>> -> memref<1x!tpu.dma_semaphore, #tpu.memory_space<semaphore_mem>>
    %dma_start3A_112 = tpu.memref_squeeze %dma_start3A_111 : memref<1x!tpu.dma_semaphore, #tpu.memory_space<semaphore_mem>> -> memref<!tpu.dma_semaphore, #tpu.memory_space<semaphore_mem>>
    tpu.enqueue_indirect_dma source(%dma_start3A_110 : memref<10240x128xf32, #tpu.memory_space<hbm>>) target(%dma_start3A_100 : memref<128x128xf32, #tpu.memory_space<vmem>>) offsets(%dma_start3A_103 : memref<128xi32, #tpu.memory_space<vmem>>) semaphore(%dma_start3A_112 : memref<!tpu.dma_semaphore, #tpu.memory_space<semaphore_mem>>)
    %dma_start3A_113 = arith.constant 1 : i32
    %dma_start3A_114 = arith.constant 1 : i32
    %dma_start3A_115 = arith.constant 1 : i32
    %dma_start3A_116 = arith.constant 0 : i32
    %dma_start3A_117 = arith.constant 0 : i32
    %dma_start3A_118 = tpu.memref_slice %arg8[%dma_start3A_114, %dma_start3A_116, %dma_start3A_117] : memref<2x128x128xf32, #tpu.memory_space<vmem>> -> memref<1x128x128xf32, #tpu.memory_space<vmem>>
    %dma_start3A_119 = tpu.memref_squeeze %dma_start3A_118 : memref<1x128x128xf32, #tpu.memory_space<vmem>> -> memref<128x128xf32, #tpu.memory_space<vmem>>
    %dma_start3A_120 = arith.constant 0 : i32
    %dma_start3A_121 = tpu.memref_slice %arg6[%dma_start3A_113, %dma_start3A_120] : memref<40x128xi32, #tpu.memory_space<vmem>> -> memref<1x128xi32, #tpu.memory_space<vmem>>
    %dma_start3A_122 = tpu.memref_squeeze %dma_start3A_121 : memref<1x128xi32, #tpu.memory_space<vmem>> -> memref<128xi32, #tpu.memory_space<vmem>>
    %dma_start3A_123 = arith.constant 0 : i32
    %dma_start3A_124 = arith.constant 0 : i32
    %dma_start3A_125 = tpu.memref_slice %arg2[%arg0, %dma_start3A_123, %dma_start3A_124] : memref<2x10240x128xf32, #tpu.memory_space<hbm>> -> memref<1x10240x128xf32, #tpu.memory_space<hbm>>
    %dma_start3A_126 = tpu.memref_squeeze %dma_start3A_125 : memref<1x10240x128xf32, #tpu.memory_space<hbm>> -> memref<10240x128xf32, #tpu.memory_space<hbm>>
    %dma_start3A_127 = arith.constant 0 : i32
    %dma_start3A_128 = arith.constant 0 : i32
    %dma_start3A_129 = tpu.memref_slice %dma_start3A_126[%dma_start3A_127, %dma_start3A_128] : memref<10240x128xf32, #tpu.memory_space<hbm>> -> memref<10240x128xf32, #tpu.memory_space<hbm>>
    %dma_start3A_130 = tpu.memref_slice %arg10[%dma_start3A_115] : memref<2x!tpu.dma_semaphore, #tpu.memory_space<semaphore_mem>> -> memref<1x!tpu.dma_semaphore, #tpu.memory_space<semaphore_mem>>
    %dma_start3A_131 = tpu.memref_squeeze %dma_start3A_130 : memref<1x!tpu.dma_semaphore, #tpu.memory_space<semaphore_mem>> -> memref<!tpu.dma_semaphore, #tpu.memory_space<semaphore_mem>>
    tpu.enqueue_indirect_dma source(%dma_start3A_129 : memref<10240x128xf32, #tpu.memory_space<hbm>>) target(%dma_start3A_119 : memref<128x128xf32, #tpu.memory_space<vmem>>) offsets(%dma_start3A_122 : memref<128xi32, #tpu.memory_space<vmem>>) semaphore(%dma_start3A_131 : memref<!tpu.dma_semaphore, #tpu.memory_space<semaphore_mem>>)
    %scan3A_132 = arith.constant 0 : i32
    %scan3A_133 = arith.constant 0 : i32
    %scan3A_134 = arith.constant 19 : i32
    %scan3A_135 = arith.addi %scan3A_133, %scan3A_134 : i32
    %scan3A_136 = arith.constant 1 : i32
    scf.for %scan3A_181 = %scan3A_133 to %scan3A_135 step %scan3A_136  : i32 {
      %mul3A_182 = arith.constant 2 : i32
      %mul3A_183 = arith.muli %mul3A_182, %scan3A_181 : i32
      %dma_wait3A_184 = arith.constant 0 : i32
      %dma_wait3A_185 = arith.constant 0 : i32
      %dma_wait3A_186 = arith.constant 0 : i32
      %dma_wait3A_187 = arith.constant 0 : i32
      %dma_wait3A_188 = tpu.memref_slice %arg8[%dma_wait3A_184, %dma_wait3A_186, %dma_wait3A_187] : memref<2x128x128xf32, #tpu.memory_space<vmem>> -> memref<1x128x128xf32, #tpu.memory_space<vmem>>
      %dma_wait3A_189 = tpu.memref_squeeze %dma_wait3A_188 : memref<1x128x128xf32, #tpu.memory_space<vmem>> -> memref<128x128xf32, #tpu.memory_space<vmem>>
      %dma_wait3A_190 = arith.constant 0 : i32
      %dma_wait3A_191 = tpu.memref_slice %arg6[%mul3A_183, %dma_wait3A_190] : memref<40x128xi32, #tpu.memory_space<vmem>> -> memref<1x128xi32, #tpu.memory_space<vmem>>
      %dma_wait3A_192 = tpu.memref_squeeze %dma_wait3A_191 : memref<1x128xi32, #tpu.memory_space<vmem>> -> memref<128xi32, #tpu.memory_space<vmem>>
      %dma_wait3A_193 = arith.constant 0 : i32
      %dma_wait3A_194 = arith.constant 0 : i32
      %dma_wait3A_195 = tpu.memref_slice %arg2[%arg0, %dma_wait3A_193, %dma_wait3A_194] : memref<2x10240x128xf32, #tpu.memory_space<hbm>> -> memref<1x10240x128xf32, #tpu.memory_space<hbm>>
      %dma_wait3A_196 = tpu.memref_squeeze %dma_wait3A_195 : memref<1x10240x128xf32, #tpu.memory_space<hbm>> -> memref<10240x128xf32, #tpu.memory_space<hbm>>
      %dma_wait3A_197 = arith.constant 0 : i32
      %dma_wait3A_198 = arith.constant 0 : i32
      %dma_wait3A_199 = tpu.memref_slice %dma_wait3A_196[%dma_wait3A_197, %dma_wait3A_198] : memref<10240x128xf32, #tpu.memory_space<hbm>> -> memref<10240x128xf32, #tpu.memory_space<hbm>>
      %dma_wait3A_200 = tpu.memref_slice %arg10[%dma_wait3A_185] : memref<2x!tpu.dma_semaphore, #tpu.memory_space<semaphore_mem>> -> memref<1x!tpu.dma_semaphore, #tpu.memory_space<semaphore_mem>>
      %dma_wait3A_201 = tpu.memref_squeeze %dma_wait3A_200 : memref<1x!tpu.dma_semaphore, #tpu.memory_space<semaphore_mem>> -> memref<!tpu.dma_semaphore, #tpu.memory_space<semaphore_mem>>
      tpu.wait_indirect_dma semaphore(%dma_wait3A_201 : memref<!tpu.dma_semaphore, #tpu.memory_space<semaphore_mem>>) src(%dma_wait3A_199 : memref<10240x128xf32, #tpu.memory_space<hbm>>) dst(%dma_wait3A_189 : memref<128x128xf32, #tpu.memory_space<vmem>>)
      %run_scoped3A_202 = arith.constant 0 : i32
      "tpu.region"() ({
        %run_scoped3A_264 = tpu.sem_alloc : memref<!tpu.dma_semaphore, #tpu.memory_space<semaphore_mem>>
        %dma_start3A_265 = arith.constant 0 : i32
        %dma_start3A_266 = arith.constant 0 : i32
        %dma_start3A_267 = tpu.memref_slice %arg8[%run_scoped3A_202, %dma_start3A_265, %dma_start3A_266] : memref<2x128x128xf32, #tpu.memory_space<vmem>> -> memref<1x128x128xf32, #tpu.memory_space<vmem>>
        %dma_start3A_268 = tpu.memref_squeeze %dma_start3A_267 : memref<1x128x128xf32, #tpu.memory_space<vmem>> -> memref<128x128xf32, #tpu.memory_space<vmem>>
        %dma_start3A_269 = arith.constant 0 : i32
        %dma_start3A_270 = tpu.memref_slice %arg7[%mul3A_183, %dma_start3A_269] : memref<40x128xi32, #tpu.memory_space<vmem>> -> memref<1x128xi32, #tpu.memory_space<vmem>>
        %dma_start3A_271 = tpu.memref_squeeze %dma_start3A_270 : memref<1x128xi32, #tpu.memory_space<vmem>> -> memref<128xi32, #tpu.memory_space<vmem>>
        %dma_start3A_272 = arith.constant 0 : i32
        %dma_start3A_273 = arith.constant 0 : i32
        %dma_start3A_274 = tpu.memref_slice %arg9[%dma_start3A_272, %dma_start3A_273] : memref<10240x128xf32, #tpu.memory_space<vmem_shared>> -> memref<10240x128xf32, #tpu.memory_space<vmem_shared>>
        tpu.enqueue_indirect_dma source(%dma_start3A_268 : memref<128x128xf32, #tpu.memory_space<vmem>>) target(%dma_start3A_274 : memref<10240x128xf32, #tpu.memory_space<vmem_shared>>) offsets(%dma_start3A_271 : memref<128xi32, #tpu.memory_space<vmem>>) semaphore(%run_scoped3A_264 : memref<!tpu.dma_semaphore, #tpu.memory_space<semaphore_mem>>) {add = true}
        %dma_wait3A_275 = arith.constant 0 : i32
        %dma_wait3A_276 = arith.constant 0 : i32
        %dma_wait3A_277 = tpu.memref_slice %arg8[%run_scoped3A_202, %dma_wait3A_275, %dma_wait3A_276] : memref<2x128x128xf32, #tpu.memory_space<vmem>> -> memref<1x128x128xf32, #tpu.memory_space<vmem>>
        %dma_wait3A_278 = tpu.memref_squeeze %dma_wait3A_277 : memref<1x128x128xf32, #tpu.memory_space<vmem>> -> memref<128x128xf32, #tpu.memory_space<vmem>>
        %dma_wait3A_279 = arith.constant 0 : i32
        %dma_wait3A_280 = tpu.memref_slice %arg7[%mul3A_183, %dma_wait3A_279] : memref<40x128xi32, #tpu.memory_space<vmem>> -> memref<1x128xi32, #tpu.memory_space<vmem>>
        %dma_wait3A_281 = tpu.memref_squeeze %dma_wait3A_280 : memref<1x128xi32, #tpu.memory_space<vmem>> -> memref<128xi32, #tpu.memory_space<vmem>>
        %dma_wait3A_282 = arith.constant 0 : i32
        %dma_wait3A_283 = arith.constant 0 : i32
        %dma_wait3A_284 = tpu.memref_slice %arg9[%dma_wait3A_282, %dma_wait3A_283] : memref<10240x128xf32, #tpu.memory_space<vmem_shared>> -> memref<10240x128xf32, #tpu.memory_space<vmem_shared>>
        tpu.wait_indirect_dma semaphore(%run_scoped3A_264 : memref<!tpu.dma_semaphore, #tpu.memory_space<semaphore_mem>>) src(%dma_wait3A_278 : memref<128x128xf32, #tpu.memory_space<vmem>>) dst(%dma_wait3A_284 : memref<10240x128xf32, #tpu.memory_space<vmem_shared>>)
        tpu.yield
      }) : () -> ()
      %add3A_203 = arith.constant 2 : i32
      %add3A_204 = arith.addi %mul3A_183, %add3A_203 : i32
      %dma_start3A_205 = arith.constant 0 : i32
      %dma_start3A_206 = arith.constant 0 : i32
      %dma_start3A_207 = arith.constant 0 : i32
      %dma_start3A_208 = arith.constant 0 : i32
      %dma_start3A_209 = tpu.memref_slice %arg8[%dma_start3A_205, %dma_start3A_207, %dma_start3A_208] : memref<2x128x128xf32, #tpu.memory_space<vmem>> -> memref<1x128x128xf32, #tpu.memory_space<vmem>>
      %dma_start3A_210 = tpu.memref_squeeze %dma_start3A_209 : memref<1x128x128xf32, #tpu.memory_space<vmem>> -> memref<128x128xf32, #tpu.memory_space<vmem>>
      %dma_start3A_211 = arith.constant 0 : i32
      %dma_start3A_212 = tpu.memref_slice %arg6[%add3A_204, %dma_start3A_211] : memref<40x128xi32, #tpu.memory_space<vmem>> -> memref<1x128xi32, #tpu.memory_space<vmem>>
      %dma_start3A_213 = tpu.memref_squeeze %dma_start3A_212 : memref<1x128xi32, #tpu.memory_space<vmem>> -> memref<128xi32, #tpu.memory_space<vmem>>
      %dma_start3A_214 = arith.constant 0 : i32
      %dma_start3A_215 = arith.constant 0 : i32
      %dma_start3A_216 = tpu.memref_slice %arg2[%arg0, %dma_start3A_214, %dma_start3A_215] : memref<2x10240x128xf32, #tpu.memory_space<hbm>> -> memref<1x10240x128xf32, #tpu.memory_space<hbm>>
      %dma_start3A_217 = tpu.memref_squeeze %dma_start3A_216 : memref<1x10240x128xf32, #tpu.memory_space<hbm>> -> memref<10240x128xf32, #tpu.memory_space<hbm>>
      %dma_start3A_218 = arith.constant 0 : i32
      %dma_start3A_219 = arith.constant 0 : i32
      %dma_start3A_220 = tpu.memref_slice %dma_start3A_217[%dma_start3A_218, %dma_start3A_219] : memref<10240x128xf32, #tpu.memory_space<hbm>> -> memref<10240x128xf32, #tpu.memory_space<hbm>>
      %dma_start3A_221 = tpu.memref_slice %arg10[%dma_start3A_206] : memref<2x!tpu.dma_semaphore, #tpu.memory_space<semaphore_mem>> -> memref<1x!tpu.dma_semaphore, #tpu.memory_space<semaphore_mem>>
      %dma_start3A_222 = tpu.memref_squeeze %dma_start3A_221 : memref<1x!tpu.dma_semaphore, #tpu.memory_space<semaphore_mem>> -> memref<!tpu.dma_semaphore, #tpu.memory_space<semaphore_mem>>
      tpu.enqueue_indirect_dma source(%dma_start3A_220 : memref<10240x128xf32, #tpu.memory_space<hbm>>) target(%dma_start3A_210 : memref<128x128xf32, #tpu.memory_space<vmem>>) offsets(%dma_start3A_213 : memref<128xi32, #tpu.memory_space<vmem>>) semaphore(%dma_start3A_222 : memref<!tpu.dma_semaphore, #tpu.memory_space<semaphore_mem>>)
      %add3A_223 = arith.constant 1 : i32
      %add3A_224 = arith.addi %mul3A_183, %add3A_223 : i32
      %dma_wait3A_225 = arith.constant 1 : i32
      %dma_wait3A_226 = arith.constant 1 : i32
      %dma_wait3A_227 = arith.constant 0 : i32
      %dma_wait3A_228 = arith.constant 0 : i32
      %dma_wait3A_229 = tpu.memref_slice %arg8[%dma_wait3A_225, %dma_wait3A_227, %dma_wait3A_228] : memref<2x128x128xf32, #tpu.memory_space<vmem>> -> memref<1x128x128xf32, #tpu.memory_space<vmem>>
      %dma_wait3A_230 = tpu.memref_squeeze %dma_wait3A_229 : memref<1x128x128xf32, #tpu.memory_space<vmem>> -> memref<128x128xf32, #tpu.memory_space<vmem>>
      %dma_wait3A_231 = arith.constant 0 : i32
      %dma_wait3A_232 = tpu.memref_slice %arg6[%add3A_224, %dma_wait3A_231] : memref<40x128xi32, #tpu.memory_space<vmem>> -> memref<1x128xi32, #tpu.memory_space<vmem>>
      %dma_wait3A_233 = tpu.memref_squeeze %dma_wait3A_232 : memref<1x128xi32, #tpu.memory_space<vmem>> -> memref<128xi32, #tpu.memory_space<vmem>>
      %dma_wait3A_234 = arith.constant 0 : i32
      %dma_wait3A_235 = arith.constant 0 : i32
      %dma_wait3A_236 = tpu.memref_slice %arg2[%arg0, %dma_wait3A_234, %dma_wait3A_235] : memref<2x10240x128xf32, #tpu.memory_space<hbm>> -> memref<1x10240x128xf32, #tpu.memory_space<hbm>>
      %dma_wait3A_237 = tpu.memref_squeeze %dma_wait3A_236 : memref<1x10240x128xf32, #tpu.memory_space<hbm>> -> memref<10240x128xf32, #tpu.memory_space<hbm>>
      %dma_wait3A_238 = arith.constant 0 : i32
      %dma_wait3A_239 = arith.constant 0 : i32
      %dma_wait3A_240 = tpu.memref_slice %dma_wait3A_237[%dma_wait3A_238, %dma_wait3A_239] : memref<10240x128xf32, #tpu.memory_space<hbm>> -> memref<10240x128xf32, #tpu.memory_space<hbm>>
      %dma_wait3A_241 = tpu.memref_slice %arg10[%dma_wait3A_226] : memref<2x!tpu.dma_semaphore, #tpu.memory_space<semaphore_mem>> -> memref<1x!tpu.dma_semaphore, #tpu.memory_space<semaphore_mem>>
      %dma_wait3A_242 = tpu.memref_squeeze %dma_wait3A_241 : memref<1x!tpu.dma_semaphore, #tpu.memory_space<semaphore_mem>> -> memref<!tpu.dma_semaphore, #tpu.memory_space<semaphore_mem>>
      tpu.wait_indirect_dma semaphore(%dma_wait3A_242 : memref<!tpu.dma_semaphore, #tpu.memory_space<semaphore_mem>>) src(%dma_wait3A_240 : memref<10240x128xf32, #tpu.memory_space<hbm>>) dst(%dma_wait3A_230 : memref<128x128xf32, #tpu.memory_space<vmem>>)
      %run_scoped3A_243 = arith.constant 1 : i32
      "tpu.region"() ({
        %run_scoped3A_264 = tpu.sem_alloc : memref<!tpu.dma_semaphore, #tpu.memory_space<semaphore_mem>>
        %dma_start3A_265 = arith.constant 0 : i32
        %dma_start3A_266 = arith.constant 0 : i32
        %dma_start3A_267 = tpu.memref_slice %arg8[%run_scoped3A_243, %dma_start3A_265, %dma_start3A_266] : memref<2x128x128xf32, #tpu.memory_space<vmem>> -> memref<1x128x128xf32, #tpu.memory_space<vmem>>
        %dma_start3A_268 = tpu.memref_squeeze %dma_start3A_267 : memref<1x128x128xf32, #tpu.memory_space<vmem>> -> memref<128x128xf32, #tpu.memory_space<vmem>>
        %dma_start3A_269 = arith.constant 0 : i32
        %dma_start3A_270 = tpu.memref_slice %arg7[%add3A_224, %dma_start3A_269] : memref<40x128xi32, #tpu.memory_space<vmem>> -> memref<1x128xi32, #tpu.memory_space<vmem>>
        %dma_start3A_271 = tpu.memref_squeeze %dma_start3A_270 : memref<1x128xi32, #tpu.memory_space<vmem>> -> memref<128xi32, #tpu.memory_space<vmem>>
        %dma_start3A_272 = arith.constant 0 : i32
        %dma_start3A_273 = arith.constant 0 : i32
        %dma_start3A_274 = tpu.memref_slice %arg9[%dma_start3A_272, %dma_start3A_273] : memref<10240x128xf32, #tpu.memory_space<vmem_shared>> -> memref<10240x128xf32, #tpu.memory_space<vmem_shared>>
        tpu.enqueue_indirect_dma source(%dma_start3A_268 : memref<128x128xf32, #tpu.memory_space<vmem>>) target(%dma_start3A_274 : memref<10240x128xf32, #tpu.memory_space<vmem_shared>>) offsets(%dma_start3A_271 : memref<128xi32, #tpu.memory_space<vmem>>) semaphore(%run_scoped3A_264 : memref<!tpu.dma_semaphore, #tpu.memory_space<semaphore_mem>>) {add = true}
        %dma_wait3A_275 = arith.constant 0 : i32
        %dma_wait3A_276 = arith.constant 0 : i32
        %dma_wait3A_277 = tpu.memref_slice %arg8[%run_scoped3A_243, %dma_wait3A_275, %dma_wait3A_276] : memref<2x128x128xf32, #tpu.memory_space<vmem>> -> memref<1x128x128xf32, #tpu.memory_space<vmem>>
        %dma_wait3A_278 = tpu.memref_squeeze %dma_wait3A_277 : memref<1x128x128xf32, #tpu.memory_space<vmem>> -> memref<128x128xf32, #tpu.memory_space<vmem>>
        %dma_wait3A_279 = arith.constant 0 : i32
        %dma_wait3A_280 = tpu.memref_slice %arg7[%add3A_224, %dma_wait3A_279] : memref<40x128xi32, #tpu.memory_space<vmem>> -> memref<1x128xi32, #tpu.memory_space<vmem>>
        %dma_wait3A_281 = tpu.memref_squeeze %dma_wait3A_280 : memref<1x128xi32, #tpu.memory_space<vmem>> -> memref<128xi32, #tpu.memory_space<vmem>>
        %dma_wait3A_282 = arith.constant 0 : i32
        %dma_wait3A_283 = arith.constant 0 : i32
        %dma_wait3A_284 = tpu.memref_slice %arg9[%dma_wait3A_282, %dma_wait3A_283] : memref<10240x128xf32, #tpu.memory_space<vmem_shared>> -> memref<10240x128xf32, #tpu.memory_space<vmem_shared>>
        tpu.wait_indirect_dma semaphore(%run_scoped3A_264 : memref<!tpu.dma_semaphore, #tpu.memory_space<semaphore_mem>>) src(%dma_wait3A_278 : memref<128x128xf32, #tpu.memory_space<vmem>>) dst(%dma_wait3A_284 : memref<10240x128xf32, #tpu.memory_space<vmem_shared>>)
        tpu.yield
      }) : () -> ()
      %add3A_244 = arith.constant 2 : i32
      %add3A_245 = arith.addi %add3A_224, %add3A_244 : i32
      %dma_start3A_246 = arith.constant 1 : i32
      %dma_start3A_247 = arith.constant 1 : i32
      %dma_start3A_248 = arith.constant 0 : i32
      %dma_start3A_249 = arith.constant 0 : i32
      %dma_start3A_250 = tpu.memref_slice %arg8[%dma_start3A_246, %dma_start3A_248, %dma_start3A_249] : memref<2x128x128xf32, #tpu.memory_space<vmem>> -> memref<1x128x128xf32, #tpu.memory_space<vmem>>
      %dma_start3A_251 = tpu.memref_squeeze %dma_start3A_250 : memref<1x128x128xf32, #tpu.memory_space<vmem>> -> memref<128x128xf32, #tpu.memory_space<vmem>>
      %dma_start3A_252 = arith.constant 0 : i32
      %dma_start3A_253 = tpu.memref_slice %arg6[%add3A_245, %dma_start3A_252] : memref<40x128xi32, #tpu.memory_space<vmem>> -> memref<1x128xi32, #tpu.memory_space<vmem>>
      %dma_start3A_254 = tpu.memref_squeeze %dma_start3A_253 : memref<1x128xi32, #tpu.memory_space<vmem>> -> memref<128xi32, #tpu.memory_space<vmem>>
      %dma_start3A_255 = arith.constant 0 : i32
      %dma_start3A_256 = arith.constant 0 : i32
      %dma_start3A_257 = tpu.memref_slice %arg2[%arg0, %dma_start3A_255, %dma_start3A_256] : memref<2x10240x128xf32, #tpu.memory_space<hbm>> -> memref<1x10240x128xf32, #tpu.memory_space<hbm>>
      %dma_start3A_258 = tpu.memref_squeeze %dma_start3A_257 : memref<1x10240x128xf32, #tpu.memory_space<hbm>> -> memref<10240x128xf32, #tpu.memory_space<hbm>>
      %dma_start3A_259 = arith.constant 0 : i32
      %dma_start3A_260 = arith.constant 0 : i32
      %dma_start3A_261 = tpu.memref_slice %dma_start3A_258[%dma_start3A_259, %dma_start3A_260] : memref<10240x128xf32, #tpu.memory_space<hbm>> -> memref<10240x128xf32, #tpu.memory_space<hbm>>
      %dma_start3A_262 = tpu.memref_slice %arg10[%dma_start3A_247] : memref<2x!tpu.dma_semaphore, #tpu.memory_space<semaphore_mem>> -> memref<1x!tpu.dma_semaphore, #tpu.memory_space<semaphore_mem>>
      %dma_start3A_263 = tpu.memref_squeeze %dma_start3A_262 : memref<1x!tpu.dma_semaphore, #tpu.memory_space<semaphore_mem>> -> memref<!tpu.dma_semaphore, #tpu.memory_space<semaphore_mem>>
      tpu.enqueue_indirect_dma source(%dma_start3A_261 : memref<10240x128xf32, #tpu.memory_space<hbm>>) target(%dma_start3A_251 : memref<128x128xf32, #tpu.memory_space<vmem>>) offsets(%dma_start3A_254 : memref<128xi32, #tpu.memory_space<vmem>>) semaphore(%dma_start3A_263 : memref<!tpu.dma_semaphore, #tpu.memory_space<semaphore_mem>>)
    }
    %scan3A_137 = arith.constant 19 : i32
    %dma_wait3A_138 = arith.constant 38 : i32
    %dma_wait3A_139 = arith.constant 0 : i32
    %dma_wait3A_140 = arith.constant 0 : i32
    %dma_wait3A_141 = arith.constant 0 : i32
    %dma_wait3A_142 = arith.constant 0 : i32
    %dma_wait3A_143 = tpu.memref_slice %arg8[%dma_wait3A_139, %dma_wait3A_141, %dma_wait3A_142] : memref<2x128x128xf32, #tpu.memory_space<vmem>> -> memref<1x128x128xf32, #tpu.memory_space<vmem>>
    %dma_wait3A_144 = tpu.memref_squeeze %dma_wait3A_143 : memref<1x128x128xf32, #tpu.memory_space<vmem>> -> memref<128x128xf32, #tpu.memory_space<vmem>>
    %dma_wait3A_145 = arith.constant 0 : i32
    %dma_wait3A_146 = tpu.memref_slice %arg6[%dma_wait3A_138, %dma_wait3A_145] : memref<40x128xi32, #tpu.memory_space<vmem>> -> memref<1x128xi32, #tpu.memory_space<vmem>>
    %dma_wait3A_147 = tpu.memref_squeeze %dma_wait3A_146 : memref<1x128xi32, #tpu.memory_space<vmem>> -> memref<128xi32, #tpu.memory_space<vmem>>
    %dma_wait3A_148 = arith.constant 0 : i32
    %dma_wait3A_149 = arith.constant 0 : i32
    %dma_wait3A_150 = tpu.memref_slice %arg2[%arg0, %dma_wait3A_148, %dma_wait3A_149] : memref<2x10240x128xf32, #tpu.memory_space<hbm>> -> memref<1x10240x128xf32, #tpu.memory_space<hbm>>
    %dma_wait3A_151 = tpu.memref_squeeze %dma_wait3A_150 : memref<1x10240x128xf32, #tpu.memory_space<hbm>> -> memref<10240x128xf32, #tpu.memory_space<hbm>>
    %dma_wait3A_152 = arith.constant 0 : i32
    %dma_wait3A_153 = arith.constant 0 : i32
    %dma_wait3A_154 = tpu.memref_slice %dma_wait3A_151[%dma_wait3A_152, %dma_wait3A_153] : memref<10240x128xf32, #tpu.memory_space<hbm>> -> memref<10240x128xf32, #tpu.memory_space<hbm>>
    %dma_wait3A_155 = tpu.memref_slice %arg10[%dma_wait3A_140] : memref<2x!tpu.dma_semaphore, #tpu.memory_space<semaphore_mem>> -> memref<1x!tpu.dma_semaphore, #tpu.memory_space<semaphore_mem>>
    %dma_wait3A_156 = tpu.memref_squeeze %dma_wait3A_155 : memref<1x!tpu.dma_semaphore, #tpu.memory_space<semaphore_mem>> -> memref<!tpu.dma_semaphore, #tpu.memory_space<semaphore_mem>>
    tpu.wait_indirect_dma semaphore(%dma_wait3A_156 : memref<!tpu.dma_semaphore, #tpu.memory_space<semaphore_mem>>) src(%dma_wait3A_154 : memref<10240x128xf32, #tpu.memory_space<hbm>>) dst(%dma_wait3A_144 : memref<128x128xf32, #tpu.memory_space<vmem>>)
    %run_scoped3A_157 = arith.constant 0 : i32
    %run_scoped3A_158 = arith.constant 38 : i32
    "tpu.region"() ({
      %run_scoped3A_181 = tpu.sem_alloc : memref<!tpu.dma_semaphore, #tpu.memory_space<semaphore_mem>>
      %dma_start3A_182 = arith.constant 0 : i32
      %dma_start3A_183 = arith.constant 0 : i32
      %dma_start3A_184 = tpu.memref_slice %arg8[%run_scoped3A_157, %dma_start3A_182, %dma_start3A_183] : memref<2x128x128xf32, #tpu.memory_space<vmem>> -> memref<1x128x128xf32, #tpu.memory_space<vmem>>
      %dma_start3A_185 = tpu.memref_squeeze %dma_start3A_184 : memref<1x128x128xf32, #tpu.memory_space<vmem>> -> memref<128x128xf32, #tpu.memory_space<vmem>>
      %dma_start3A_186 = arith.constant 0 : i32
      %dma_start3A_187 = tpu.memref_slice %arg7[%run_scoped3A_158, %dma_start3A_186] : memref<40x128xi32, #tpu.memory_space<vmem>> -> memref<1x128xi32, #tpu.memory_space<vmem>>
      %dma_start3A_188 = tpu.memref_squeeze %dma_start3A_187 : memref<1x128xi32, #tpu.memory_space<vmem>> -> memref<128xi32, #tpu.memory_space<vmem>>
      %dma_start3A_189 = arith.constant 0 : i32
      %dma_start3A_190 = arith.constant 0 : i32
      %dma_start3A_191 = tpu.memref_slice %arg9[%dma_start3A_189, %dma_start3A_190] : memref<10240x128xf32, #tpu.memory_space<vmem_shared>> -> memref<10240x128xf32, #tpu.memory_space<vmem_shared>>
      tpu.enqueue_indirect_dma source(%dma_start3A_185 : memref<128x128xf32, #tpu.memory_space<vmem>>) target(%dma_start3A_191 : memref<10240x128xf32, #tpu.memory_space<vmem_shared>>) offsets(%dma_start3A_188 : memref<128xi32, #tpu.memory_space<vmem>>) semaphore(%run_scoped3A_181 : memref<!tpu.dma_semaphore, #tpu.memory_space<semaphore_mem>>) {add = true}
      %dma_wait3A_192 = arith.constant 0 : i32
      %dma_wait3A_193 = arith.constant 0 : i32
      %dma_wait3A_194 = tpu.memref_slice %arg8[%run_scoped3A_157, %dma_wait3A_192, %dma_wait3A_193] : memref<2x128x128xf32, #tpu.memory_space<vmem>> -> memref<1x128x128xf32, #tpu.memory_space<vmem>>
      %dma_wait3A_195 = tpu.memref_squeeze %dma_wait3A_194 : memref<1x128x128xf32, #tpu.memory_space<vmem>> -> memref<128x128xf32, #tpu.memory_space<vmem>>
      %dma_wait3A_196 = arith.constant 0 : i32
      %dma_wait3A_197 = tpu.memref_slice %arg7[%run_scoped3A_158, %dma_wait3A_196] : memref<40x128xi32, #tpu.memory_space<vmem>> -> memref<1x128xi32, #tpu.memory_space<vmem>>
      %dma_wait3A_198 = tpu.memref_squeeze %dma_wait3A_197 : memref<1x128xi32, #tpu.memory_space<vmem>> -> memref<128xi32, #tpu.memory_space<vmem>>
      %dma_wait3A_199 = arith.constant 0 : i32
      %dma_wait3A_200 = arith.constant 0 : i32
      %dma_wait3A_201 = tpu.memref_slice %arg9[%dma_wait3A_199, %dma_wait3A_200] : memref<10240x128xf32, #tpu.memory_space<vmem_shared>> -> memref<10240x128xf32, #tpu.memory_space<vmem_shared>>
      tpu.wait_indirect_dma semaphore(%run_scoped3A_181 : memref<!tpu.dma_semaphore, #tpu.memory_space<semaphore_mem>>) src(%dma_wait3A_195 : memref<128x128xf32, #tpu.memory_space<vmem>>) dst(%dma_wait3A_201 : memref<10240x128xf32, #tpu.memory_space<vmem_shared>>)
      tpu.yield
    }) : () -> ()
    %dma_wait3A_159 = arith.constant 39 : i32
    %dma_wait3A_160 = arith.constant 1 : i32
    %dma_wait3A_161 = arith.constant 1 : i32
    %dma_wait3A_162 = arith.constant 0 : i32
    %dma_wait3A_163 = arith.constant 0 : i32
    %dma_wait3A_164 = tpu.memref_slice %arg8[%dma_wait3A_160, %dma_wait3A_162, %dma_wait3A_163] : memref<2x128x128xf32, #tpu.memory_space<vmem>> -> memref<1x128x128xf32, #tpu.memory_space<vmem>>
    %dma_wait3A_165 = tpu.memref_squeeze %dma_wait3A_164 : memref<1x128x128xf32, #tpu.memory_space<vmem>> -> memref<128x128xf32, #tpu.memory_space<vmem>>
    %dma_wait3A_166 = arith.constant 0 : i32
    %dma_wait3A_167 = tpu.memref_slice %arg6[%dma_wait3A_159, %dma_wait3A_166] : memref<40x128xi32, #tpu.memory_space<vmem>> -> memref<1x128xi32, #tpu.memory_space<vmem>>
    %dma_wait3A_168 = tpu.memref_squeeze %dma_wait3A_167 : memref<1x128xi32, #tpu.memory_space<vmem>> -> memref<128xi32, #tpu.memory_space<vmem>>
    %dma_wait3A_169 = arith.constant 0 : i32
    %dma_wait3A_170 = arith.constant 0 : i32
    %dma_wait3A_171 = tpu.memref_slice %arg2[%arg0, %dma_wait3A_169, %dma_wait3A_170] : memref<2x10240x128xf32, #tpu.memory_space<hbm>> -> memref<1x10240x128xf32, #tpu.memory_space<hbm>>
    %dma_wait3A_172 = tpu.memref_squeeze %dma_wait3A_171 : memref<1x10240x128xf32, #tpu.memory_space<hbm>> -> memref<10240x128xf32, #tpu.memory_space<hbm>>
    %dma_wait3A_173 = arith.constant 0 : i32
    %dma_wait3A_174 = arith.constant 0 : i32
    %dma_wait3A_175 = tpu.memref_slice %dma_wait3A_172[%dma_wait3A_173, %dma_wait3A_174] : memref<10240x128xf32, #tpu.memory_space<hbm>> -> memref<10240x128xf32, #tpu.memory_space<hbm>>
    %dma_wait3A_176 = tpu.memref_slice %arg10[%dma_wait3A_161] : memref<2x!tpu.dma_semaphore, #tpu.memory_space<semaphore_mem>> -> memref<1x!tpu.dma_semaphore, #tpu.memory_space<semaphore_mem>>
    %dma_wait3A_177 = tpu.memref_squeeze %dma_wait3A_176 : memref<1x!tpu.dma_semaphore, #tpu.memory_space<semaphore_mem>> -> memref<!tpu.dma_semaphore, #tpu.memory_space<semaphore_mem>>
    tpu.wait_indirect_dma semaphore(%dma_wait3A_177 : memref<!tpu.dma_semaphore, #tpu.memory_space<semaphore_mem>>) src(%dma_wait3A_175 : memref<10240x128xf32, #tpu.memory_space<hbm>>) dst(%dma_wait3A_165 : memref<128x128xf32, #tpu.memory_space<vmem>>)
    %run_scoped3A_178 = arith.constant 1 : i32
    %run_scoped3A_179 = arith.constant 39 : i32
    "tpu.region"() ({
      %run_scoped3A_181 = tpu.sem_alloc : memref<!tpu.dma_semaphore, #tpu.memory_space<semaphore_mem>>
      %dma_start3A_182 = arith.constant 0 : i32
      %dma_start3A_183 = arith.constant 0 : i32
      %dma_start3A_184 = tpu.memref_slice %arg8[%run_scoped3A_178, %dma_start3A_182, %dma_start3A_183] : memref<2x128x128xf32, #tpu.memory_space<vmem>> -> memref<1x128x128xf32, #tpu.memory_space<vmem>>
      %dma_start3A_185 = tpu.memref_squeeze %dma_start3A_184 : memref<1x128x128xf32, #tpu.memory_space<vmem>> -> memref<128x128xf32, #tpu.memory_space<vmem>>
      %dma_start3A_186 = arith.constant 0 : i32
      %dma_start3A_187 = tpu.memref_slice %arg7[%run_scoped3A_179, %dma_start3A_186] : memref<40x128xi32, #tpu.memory_space<vmem>> -> memref<1x128xi32, #tpu.memory_space<vmem>>
      %dma_start3A_188 = tpu.memref_squeeze %dma_start3A_187 : memref<1x128xi32, #tpu.memory_space<vmem>> -> memref<128xi32, #tpu.memory_space<vmem>>
      %dma_start3A_189 = arith.constant 0 : i32
      %dma_start3A_190 = arith.constant 0 : i32
      %dma_start3A_191 = tpu.memref_slice %arg9[%dma_start3A_189, %dma_start3A_190] : memref<10240x128xf32, #tpu.memory_space<vmem_shared>> -> memref<10240x128xf32, #tpu.memory_space<vmem_shared>>
      tpu.enqueue_indirect_dma source(%dma_start3A_185 : memref<128x128xf32, #tpu.memory_space<vmem>>) target(%dma_start3A_191 : memref<10240x128xf32, #tpu.memory_space<vmem_shared>>) offsets(%dma_start3A_188 : memref<128xi32, #tpu.memory_space<vmem>>) semaphore(%run_scoped3A_181 : memref<!tpu.dma_semaphore, #tpu.memory_space<semaphore_mem>>) {add = true}
      %dma_wait3A_192 = arith.constant 0 : i32
      %dma_wait3A_193 = arith.constant 0 : i32
      %dma_wait3A_194 = tpu.memref_slice %arg8[%run_scoped3A_178, %dma_wait3A_192, %dma_wait3A_193] : memref<2x128x128xf32, #tpu.memory_space<vmem>> -> memref<1x128x128xf32, #tpu.memory_space<vmem>>
      %dma_wait3A_195 = tpu.memref_squeeze %dma_wait3A_194 : memref<1x128x128xf32, #tpu.memory_space<vmem>> -> memref<128x128xf32, #tpu.memory_space<vmem>>
      %dma_wait3A_196 = arith.constant 0 : i32
      %dma_wait3A_197 = tpu.memref_slice %arg7[%run_scoped3A_179, %dma_wait3A_196] : memref<40x128xi32, #tpu.memory_space<vmem>> -> memref<1x128xi32, #tpu.memory_space<vmem>>
      %dma_wait3A_198 = tpu.memref_squeeze %dma_wait3A_197 : memref<1x128xi32, #tpu.memory_space<vmem>> -> memref<128xi32, #tpu.memory_space<vmem>>
      %dma_wait3A_199 = arith.constant 0 : i32
      %dma_wait3A_200 = arith.constant 0 : i32
      %dma_wait3A_201 = tpu.memref_slice %arg9[%dma_wait3A_199, %dma_wait3A_200] : memref<10240x128xf32, #tpu.memory_space<vmem_shared>> -> memref<10240x128xf32, #tpu.memory_space<vmem_shared>>
      tpu.wait_indirect_dma semaphore(%run_scoped3A_181 : memref<!tpu.dma_semaphore, #tpu.memory_space<semaphore_mem>>) src(%dma_wait3A_195 : memref<128x128xf32, #tpu.memory_space<vmem>>) dst(%dma_wait3A_201 : memref<10240x128xf32, #tpu.memory_space<vmem_shared>>)
      tpu.yield
    }) : () -> ()
    %barrier3A_180 = arith.constant 0 : index
    tpu.barrier barrier_id(%barrier3A_180)
    "tpu.region"() ({
      %run_scoped3A_181 = tpu.sem_alloc : memref<!tpu.dma_semaphore, #tpu.memory_space<semaphore_mem>>
      %dma_start3A_182 = arith.constant 0 : i32
      %dma_start3A_183 = arith.constant 0 : i32
      %dma_start3A_184 = tpu.memref_slice %arg5[%arg0, %dma_start3A_182, %dma_start3A_183] : memref<2x10240x128xf32, #tpu.memory_space<hbm>> -> memref<1x10240x128xf32, #tpu.memory_space<hbm>>
      %dma_start3A_185 = tpu.memref_squeeze %dma_start3A_184 : memref<1x10240x128xf32, #tpu.memory_space<hbm>> -> memref<10240x128xf32, #tpu.memory_space<hbm>>
      %dma_start3A_186 = arith.constant 0 : i32
      %dma_start3A_187 = tpu.memref_slice %dma_start3A_185[%mul3A_0, %dma_start3A_186] : memref<10240x128xf32, #tpu.memory_space<hbm>> -> memref<640x128xf32, #tpu.memory_space<hbm>>
      %dma_start3A_188 = arith.constant 0 : i32
      %dma_start3A_189 = tpu.memref_slice %arg9[%mul3A_0, %dma_start3A_188] : memref<10240x128xf32, #tpu.memory_space<vmem_shared>> -> memref<640x128xf32, #tpu.memory_space<vmem_shared>>
      tpu.enqueue_dma source(%dma_start3A_189 : memref<640x128xf32, #tpu.memory_space<vmem_shared>>) target(%dma_start3A_187 : memref<640x128xf32, #tpu.memory_space<hbm>>) target_semaphore(%run_scoped3A_181 : memref<!tpu.dma_semaphore, #tpu.memory_space<semaphore_mem>>)
      %dma_wait3A_190 = arith.constant 0 : i32
      %dma_wait3A_191 = arith.constant 0 : i32
      %dma_wait3A_192 = tpu.memref_slice %arg5[%arg0, %dma_wait3A_190, %dma_wait3A_191] : memref<2x10240x128xf32, #tpu.memory_space<hbm>> -> memref<1x10240x128xf32, #tpu.memory_space<hbm>>
      %dma_wait3A_193 = tpu.memref_squeeze %dma_wait3A_192 : memref<1x10240x128xf32, #tpu.memory_space<hbm>> -> memref<10240x128xf32, #tpu.memory_space<hbm>>
      %dma_wait3A_194 = arith.constant 0 : i32
      %dma_wait3A_195 = tpu.memref_slice %dma_wait3A_193[%mul3A_0, %dma_wait3A_194] : memref<10240x128xf32, #tpu.memory_space<hbm>> -> memref<640x128xf32, #tpu.memory_space<hbm>>
      %dma_wait3A_196 = arith.constant 0 : i32
      %dma_wait3A_197 = tpu.memref_slice %arg9[%mul3A_0, %dma_wait3A_196] : memref<10240x128xf32, #tpu.memory_space<vmem_shared>> -> memref<640x128xf32, #tpu.memory_space<vmem_shared>>
      tpu.wait_dma2 semaphore(%run_scoped3A_181 : memref<!tpu.dma_semaphore, #tpu.memory_space<semaphore_mem>>) src(%dma_wait3A_197 : memref<640x128xf32, #tpu.memory_space<vmem_shared>>) dst(%dma_wait3A_195 : memref<640x128xf32, #tpu.memory_space<hbm>>)
      tpu.yield
    }) : () -> ()
    return
  }
}

module attributes {stable_mosaic.version = 14 : i64} {
  func.func @_prescale_body(%arg0: i32, %arg1: memref<640x256xf32, #tpu.memory_space<vmem>>, %arg2: memref<2x16x2x640xf32, #tpu.memory_space<vmem>>, %arg3: memref<2x640x128xf32, #tpu.memory_space<vmem>>, %arg4: memref<640x1xf32, #tpu.memory_space<vmem>>) attributes {dimension_semantics = [#tpu.dimension_semantics<arbitrary>], iteration_bounds = array<i64: 16>, scalar_prefetch = 0 : i64, scratch_operands = 0 : i64, tpu.core_type = #tpu.core_type<tc>, window_params = [{transform_indices = @transform_0, window_bounds = array<i64: 640, 256>}, {transform_indices = @transform_1, window_bounds = array<i64: 2, 16, 2, 640>}, {transform_indices = @transform_2, window_bounds = array<i64: 2, 640, 128>}, {transform_indices = @transform_3, window_bounds = array<i64: 640, 1>}]} {
    %get3A = arith.constant 0 : index
    %get3A_0 = arith.constant 0 : index
    %get3A_1 = arith.constant 0 : index
    %get3A_2 = arith.constant 0 : index
    %get3A_3 = vector.load %arg2[%get3A, %get3A_0, %get3A_1, %get3A_2] : memref<2x16x2x640xf32, #tpu.memory_space<vmem>>, vector<2x16x2x640xf32>
    %reduce_sum3A = arith.constant dense<0.000000e+00> : vector<2x640xf32>
    %reduce_sum3A_4 = vector.multi_reduction <add>, %get3A_3, %reduce_sum3A [0, 1] : vector<2x16x2x640xf32> to vector<2x640xf32>
    %slice3A = vector.extract_strided_slice %reduce_sum3A_4 {offsets = [0, 0], sizes = [1, 640], strides = [1, 1]} : vector<2x640xf32> to vector<1x640xf32>
    %add3A = arith.constant 1.000000e+00 : f32
    %add3A_5 = vector.broadcast %add3A : f32 to vector<1x640xf32>
    %add3A_6 = arith.addf %slice3A, %add3A_5 : vector<1x640xf32>
    %rsqrt3A = math.rsqrt %add3A_6 : vector<1x640xf32>
    %slice3A_7 = vector.extract_strided_slice %reduce_sum3A_4 {offsets = [1, 0], sizes = [1, 640], strides = [1, 1]} : vector<2x640xf32> to vector<1x640xf32>
    %add3A_8 = arith.constant 1.000000e+00 : f32
    %add3A_9 = vector.broadcast %add3A_8 : f32 to vector<1x640xf32>
    %add3A_10 = arith.addf %slice3A_7, %add3A_9 : vector<1x640xf32>
    %rsqrt3A_11 = math.rsqrt %add3A_10 : vector<1x640xf32>
    %iota3A = tpu.iota {dimensions = array<i32: 0>} : vector<640x640xi32>
    %iota3A_12 = tpu.iota {dimensions = array<i32: 1>} : vector<640x640xi32>
    %eq3A = arith.cmpi eq, %iota3A, %iota3A_12 : vector<640x640xi32>
    %convert_element_type3A = arith.extui %eq3A : vector<640x640xi1> to vector<640x640xi32>
    %convert_element_type3A_13 = arith.sitofp %convert_element_type3A : vector<640x640xi32> to vector<640x640xf32>
    %dot_general3A = arith.constant dense<0.000000e+00> : vector<640x1xf32>
    %dot_general3A_14 = tpu.matmul %convert_element_type3A_13, %rsqrt3A, %dot_general3A {dimension_numbers = #tpu.dot_dimension_numbers<[1], [1], [0], [0], [0, 0, 1, 0], [], []>, transpose_lhs_hint = false} : vector<640x640xf32>, vector<1x640xf32>, vector<640x1xf32> -> vector<640x1xf32>
    %dot_general3A_15 = arith.constant dense<0.000000e+00> : vector<640x1xf32>
    %dot_general3A_16 = tpu.matmul %convert_element_type3A_13, %rsqrt3A_11, %dot_general3A_15 {dimension_numbers = #tpu.dot_dimension_numbers<[1], [1], [0], [0], [0, 0, 1, 0], [], []>, transpose_lhs_hint = false} : vector<640x640xf32>, vector<1x640xf32>, vector<640x1xf32> -> vector<640x1xf32>
    %get3A_17 = arith.constant 0 : index
    %get3A_18 = arith.constant 0 : index
    %get3A_19 = vector.load %arg1[%get3A_17, %get3A_18] : memref<640x256xf32, #tpu.memory_space<vmem>>, vector<640x256xf32>
    %mul3A = vector.broadcast %dot_general3A_14 : vector<640x1xf32> to vector<640x256xf32>
    %mul3A_20 = arith.mulf %get3A_19, %mul3A : vector<640x256xf32>
    %slice3A_21 = vector.extract_strided_slice %mul3A_20 {offsets = [0, 0], sizes = [640, 128], strides = [1, 1]} : vector<640x256xf32> to vector<640x128xf32>
    %swap3A = arith.constant 0 : index
    %swap3A_22 = arith.constant 0 : index
    %swap3A_23 = arith.constant 0 : index
    %swap3A_24 = vector.load %arg3[%swap3A, %swap3A_22, %swap3A_23] : memref<2x640x128xf32, #tpu.memory_space<vmem>>, vector<1x640x128xf32>
    %swap3A_25 = vector.shape_cast %swap3A_24 : vector<1x640x128xf32> to vector<640x128xf32>
    %swap3A_26 = vector.shape_cast %slice3A_21 : vector<640x128xf32> to vector<1x640x128xf32>
    tpu.vector_store %arg3[%swap3A, %swap3A_22, %swap3A_23], %swap3A_26 {strides = array<i32>} : memref<2x640x128xf32, #tpu.memory_space<vmem>>, vector<1x640x128xf32>,
    %slice3A_27 = vector.extract_strided_slice %mul3A_20 {offsets = [0, 128], sizes = [640, 128], strides = [1, 1]} : vector<640x256xf32> to vector<640x128xf32>
    %swap3A_28 = arith.constant 1 : index
    %swap3A_29 = arith.constant 0 : index
    %swap3A_30 = arith.constant 0 : index
    %swap3A_31 = vector.load %arg3[%swap3A_28, %swap3A_29, %swap3A_30] : memref<2x640x128xf32, #tpu.memory_space<vmem>>, vector<1x640x128xf32>
    %swap3A_32 = vector.shape_cast %swap3A_31 : vector<1x640x128xf32> to vector<640x128xf32>
    %swap3A_33 = vector.shape_cast %slice3A_27 : vector<640x128xf32> to vector<1x640x128xf32>
    tpu.vector_store %arg3[%swap3A_28, %swap3A_29, %swap3A_30], %swap3A_33 {strides = array<i32>} : memref<2x640x128xf32, #tpu.memory_space<vmem>>, vector<1x640x128xf32>,
    %swap3A_34 = arith.constant 0 : index
    %swap3A_35 = arith.constant 0 : index
    %swap3A_36 = vector.load %arg4[%swap3A_34, %swap3A_35] : memref<640x1xf32, #tpu.memory_space<vmem>>, vector<640x1xf32>
    tpu.vector_store %arg4[%swap3A_34, %swap3A_35], %dot_general3A_16 {strides = array<i32>} : memref<640x1xf32, #tpu.memory_space<vmem>>, vector<640x1xf32>,
    return
  }
  func.func @transform_0(%arg0: i32) -> (i32, i32) {
    %c0_i32 = arith.constant 0 : i32
    %c0_i32_0 = arith.constant 0 : i32
    return %arg0, %c0_i32 : i32, i32
  }
  func.func @transform_1(%arg0: i32) -> (i32, i32, i32, i32) {
    %c0_i32 = arith.constant 0 : i32
    %c0_i32_0 = arith.constant 0 : i32
    %c0_i32_1 = arith.constant 0 : i32
    %c0_i32_2 = arith.constant 0 : i32
    return %c0_i32, %c0_i32_0, %c0_i32_1, %arg0 : i32, i32, i32, i32
  }
  func.func @transform_2(%arg0: i32) -> (i32, i32, i32) {
    %c0_i32 = arith.constant 0 : i32
    %c0_i32_0 = arith.constant 0 : i32
    %c0_i32_1 = arith.constant 0 : i32
    return %c0_i32, %arg0, %c0_i32_0 : i32, i32, i32
  }
  func.func @transform_3(%arg0: i32) -> (i32, i32) {
    %c0_i32 = arith.constant 0 : i32
    %c0_i32_0 = arith.constant 0 : i32
    return %arg0, %c0_i32 : i32, i32
  }
}

module attributes {stable_mosaic.version = 14 : i64} {
  func.func @_proj_bn_body(%arg0: i32, %arg1: memref<2x1000x128xf32, #tpu.memory_space<vmem>>, %arg2: memref<1000x1xf32, #tpu.memory_space<vmem>>, %arg3: memref<2x128x512xf32, #tpu.memory_space<vmem>>, %arg4: memref<1x512xf32, #tpu.memory_space<vmem>>, %arg5: memref<1x512xf32, #tpu.memory_space<vmem>>, %arg6: memref<1x512xf32, #tpu.memory_space<vmem>>, %arg7: memref<1000x512xf32, #tpu.memory_space<vmem>>, %arg8: memref<10000x512xf32, #tpu.memory_space<vmem>>, %arg9: memref<2x512xf32, #tpu.memory_space<vmem>>) attributes {dimension_semantics = [#tpu.dimension_semantics<arbitrary>], iteration_bounds = array<i64: 20>, scalar_prefetch = 0 : i64, scratch_operands = 2 : i64, tpu.core_type = #tpu.core_type<tc>, window_params = [{transform_indices = @transform_0, window_bounds = array<i64: 2, 1000, 128>}, {transform_indices = @transform_1, window_bounds = array<i64: 1000, 1>}, {pipeline_mode = #tpu.pipeline_mode<synchronous>, transform_indices = @transform_2, window_bounds = array<i64: 2, 128, 512>}, {pipeline_mode = #tpu.pipeline_mode<synchronous>, transform_indices = @transform_3, window_bounds = array<i64: 1, 512>}, {pipeline_mode = #tpu.pipeline_mode<synchronous>, transform_indices = @transform_4, window_bounds = array<i64: 1, 512>}, {pipeline_mode = #tpu.pipeline_mode<synchronous>, transform_indices = @transform_5, window_bounds = array<i64: 1, 512>}, {transform_indices = @transform_6, window_bounds = array<i64: 1000, 512>}]} {
    %lt3A = arith.constant 10 : i32
    %lt3A_0 = arith.cmpi slt, %arg0, %lt3A : i32
    %convert_element_type3A = arith.extui %lt3A_0 : i1 to i32
    %cond3A = arith.constant 0 : i32
    %cond3A_1 = arith.cmpi ne, %convert_element_type3A, %cond3A : i32
    scf.if %cond3A_1 {
      %get3A = arith.constant 0 : index
      %get3A_6 = arith.constant 0 : index
      %get3A_7 = vector.load %arg2[%get3A, %get3A_6] : memref<1000x1xf32, #tpu.memory_space<vmem>>, vector<1000x1xf32>
      %get3A_8 = arith.constant 0 : index
      %get3A_9 = arith.constant 0 : index
      %get3A_10 = arith.constant 0 : index
      %get3A_11 = vector.load %arg1[%get3A_8, %get3A_9, %get3A_10] : memref<2x1000x128xf32, #tpu.memory_space<vmem>>, vector<1x1000x128xf32>
      %get3A_12 = vector.shape_cast %get3A_11 : vector<1x1000x128xf32> to vector<1000x128xf32>
      %mul3A = vector.broadcast %get3A_7 : vector<1000x1xf32> to vector<1000x128xf32>
      %mul3A_13 = arith.mulf %get3A_12, %mul3A : vector<1000x128xf32>
      %get3A_14 = arith.constant 1 : index
      %get3A_15 = arith.constant 0 : index
      %get3A_16 = arith.constant 0 : index
      %get3A_17 = vector.load %arg1[%get3A_14, %get3A_15, %get3A_16] : memref<2x1000x128xf32, #tpu.memory_space<vmem>>, vector<1x1000x128xf32>
      %get3A_18 = vector.shape_cast %get3A_17 : vector<1x1000x128xf32> to vector<1000x128xf32>
      %mul3A_19 = vector.broadcast %get3A_7 : vector<1000x1xf32> to vector<1000x128xf32>
      %mul3A_20 = arith.mulf %get3A_18, %mul3A_19 : vector<1000x128xf32>
      %get3A_21 = arith.constant 0 : index
      %get3A_22 = arith.constant 0 : index
      %get3A_23 = arith.constant 0 : index
      %get3A_24 = vector.load %arg3[%get3A_21, %get3A_22, %get3A_23] : memref<2x128x512xf32, #tpu.memory_space<vmem>>, vector<1x128x512xf32>
      %get3A_25 = vector.shape_cast %get3A_24 : vector<1x128x512xf32> to vector<128x512xf32>
      %dot_general3A = arith.constant dense<0.000000e+00> : vector<1000x512xf32>
      %dot_general3A_26 = tpu.matmul %mul3A_13, %get3A_25, %dot_general3A {dimension_numbers = #tpu.dot_dimension_numbers<[1], [0], [0], [1], [0, 0, 1, 1], [], []>, transpose_lhs_hint = false} : vector<1000x128xf32>, vector<128x512xf32>, vector<1000x512xf32> -> vector<1000x512xf32>
      %get3A_27 = arith.constant 1 : index
      %get3A_28 = arith.constant 0 : index
      %get3A_29 = arith.constant 0 : index
      %get3A_30 = vector.load %arg3[%get3A_27, %get3A_28, %get3A_29] : memref<2x128x512xf32, #tpu.memory_space<vmem>>, vector<1x128x512xf32>
      %get3A_31 = vector.shape_cast %get3A_30 : vector<1x128x512xf32> to vector<128x512xf32>
      %dot_general3A_32 = arith.constant dense<0.000000e+00> : vector<1000x512xf32>
      %dot_general3A_33 = tpu.matmul %mul3A_20, %get3A_31, %dot_general3A_32 {dimension_numbers = #tpu.dot_dimension_numbers<[1], [0], [0], [1], [0, 0, 1, 1], [], []>, transpose_lhs_hint = false} : vector<1000x128xf32>, vector<128x512xf32>, vector<1000x512xf32> -> vector<1000x512xf32>
      %add3A = arith.addf %dot_general3A_26, %dot_general3A_33 : vector<1000x512xf32>
      %get3A_34 = arith.constant 0 : index
      %get3A_35 = arith.constant 0 : index
      %get3A_36 = vector.load %arg4[%get3A_34, %get3A_35] : memref<1x512xf32, #tpu.memory_space<vmem>>, vector<1x512xf32>
      %add3A_37 = vector.broadcast %get3A_36 : vector<1x512xf32> to vector<1000x512xf32>
      %add3A_38 = arith.addf %add3A, %add3A_37 : vector<1000x512xf32>
      %mul3A_39 = arith.constant 1000 : i32
      %mul3A_40 = arith.muli %arg0, %mul3A_39 : i32
      %swap3A = arith.index_cast %mul3A_40 : i32 to index
      %swap3A_41 = arith.constant 0 : index
      %swap3A_42 = vector.load %arg8[%swap3A, %swap3A_41] : memref<10000x512xf32, #tpu.memory_space<vmem>>, vector<1000x512xf32>
      tpu.vector_store %arg8[%swap3A, %swap3A_41], %add3A_38 {strides = array<i32>} : memref<10000x512xf32, #tpu.memory_space<vmem>>, vector<1000x512xf32>,
      %reduce_sum3A = arith.constant dense<0.000000e+00> : vector<512xf32>
      %reduce_sum3A_43 = vector.multi_reduction <add>, %add3A_38, %reduce_sum3A [0] : vector<1000x512xf32> to vector<512xf32>
      %mul3A_44 = arith.mulf %add3A_38, %add3A_38 : vector<1000x512xf32>
      %reduce_sum3A_45 = arith.constant dense<0.000000e+00> : vector<512xf32>
      %reduce_sum3A_46 = vector.multi_reduction <add>, %mul3A_44, %reduce_sum3A_45 [0] : vector<1000x512xf32> to vector<512xf32>
      %stack3A = vector.shape_cast %reduce_sum3A_43 : vector<512xf32> to vector<1x512xf32>
      %stack3A_47 = vector.shape_cast %reduce_sum3A_46 : vector<512xf32> to vector<1x512xf32>
      %stack3A_48 = tpu.concatenate %stack3A, %stack3A_47 in 0 : vector<1x512xf32>, vector<1x512xf32> -> vector<2x512xf32>
      %eq3A = arith.constant 0 : i32
      %eq3A_49 = arith.cmpi eq, %arg0, %eq3A : i32
      %broadcast_in_dim3A = arith.constant 0.000000e+00 : f32
      %broadcast_in_dim3A_50 = vector.broadcast %broadcast_in_dim3A : f32 to vector<2x512xf32>
      %get3A_51 = arith.constant 0 : index
      %get3A_52 = arith.constant 0 : index
      %get3A_53 = vector.load %arg9[%get3A_51, %get3A_52] : memref<2x512xf32, #tpu.memory_space<vmem>>, vector<2x512xf32>
      %select_n3A = arith.select %eq3A_49, %broadcast_in_dim3A_50, %get3A_53 : vector<2x512xf32>
      %add3A_54 = arith.addf %select_n3A, %stack3A_48 : vector<2x512xf32>
      %swap3A_55 = arith.constant 0 : index
      %swap3A_56 = arith.constant 0 : index
      %swap3A_57 = vector.load %arg9[%swap3A_55, %swap3A_56] : memref<2x512xf32, #tpu.memory_space<vmem>>, vector<2x512xf32>
      tpu.vector_store %arg9[%swap3A_55, %swap3A_56], %add3A_54 {strides = array<i32>} : memref<2x512xf32, #tpu.memory_space<vmem>>, vector<2x512xf32>,
    } else {
    }
    %ge3A = arith.constant 10 : i32
    %ge3A_2 = arith.cmpi sge, %arg0, %ge3A : i32
    %convert_element_type3A_3 = arith.extui %ge3A_2 : i1 to i32
    %cond3A_4 = arith.constant 0 : i32
    %cond3A_5 = arith.cmpi ne, %convert_element_type3A_3, %cond3A_4 : i32
    scf.if %cond3A_5 {
      %sub3A = arith.constant 10 : i32
      %sub3A_6 = arith.subi %arg0, %sub3A : i32
      %get3A = arith.constant 0 : index
      %get3A_7 = arith.constant 0 : index
      %get3A_8 = vector.load %arg9[%get3A, %get3A_7] : memref<2x512xf32, #tpu.memory_space<vmem>>, vector<2x512xf32>
      %slice3A = vector.extract_strided_slice %get3A_8 {offsets = [0, 0], sizes = [1, 512], strides = [1, 1]} : vector<2x512xf32> to vector<1x512xf32>
      %mul3A = arith.constant 9.99999974E-5 : f32
      %mul3A_9 = vector.broadcast %mul3A : f32 to vector<1x512xf32>
      %mul3A_10 = arith.mulf %slice3A, %mul3A_9 : vector<1x512xf32>
      %slice3A_11 = vector.extract_strided_slice %get3A_8 {offsets = [1, 0], sizes = [1, 512], strides = [1, 1]} : vector<2x512xf32> to vector<1x512xf32>
      %mul3A_12 = arith.constant 9.99999974E-5 : f32
      %mul3A_13 = vector.broadcast %mul3A_12 : f32 to vector<1x512xf32>
      %mul3A_14 = arith.mulf %slice3A_11, %mul3A_13 : vector<1x512xf32>
      %mul3A_15 = arith.mulf %mul3A_10, %mul3A_10 : vector<1x512xf32>
      %sub3A_16 = arith.subf %mul3A_14, %mul3A_15 : vector<1x512xf32>
      %get3A_17 = arith.constant 0 : index
      %get3A_18 = arith.constant 0 : index
      %get3A_19 = vector.load %arg5[%get3A_17, %get3A_18] : memref<1x512xf32, #tpu.memory_space<vmem>>, vector<1x512xf32>
      %add3A = arith.constant 9.99999974E-6 : f32
      %add3A_20 = vector.broadcast %add3A : f32 to vector<1x512xf32>
      %add3A_21 = arith.addf %sub3A_16, %add3A_20 : vector<1x512xf32>
      %rsqrt3A = math.rsqrt %add3A_21 : vector<1x512xf32>
      %mul3A_22 = arith.mulf %get3A_19, %rsqrt3A : vector<1x512xf32>
      %get3A_23 = arith.constant 0 : index
      %get3A_24 = arith.constant 0 : index
      %get3A_25 = vector.load %arg6[%get3A_23, %get3A_24] : memref<1x512xf32, #tpu.memory_space<vmem>>, vector<1x512xf32>
      %mul3A_26 = arith.mulf %mul3A_10, %mul3A_22 : vector<1x512xf32>
      %sub3A_27 = arith.subf %get3A_25, %mul3A_26 : vector<1x512xf32>
      %mul3A_28 = arith.constant 1000 : i32
      %mul3A_29 = arith.muli %sub3A_6, %mul3A_28 : i32
      %get3A_30 = arith.index_cast %mul3A_29 : i32 to index
      %get3A_31 = arith.constant 0 : index
      %get3A_32 = vector.load %arg8[%get3A_30, %get3A_31] : memref<10000x512xf32, #tpu.memory_space<vmem>>, vector<1000x512xf32>
      %mul3A_33 = vector.broadcast %mul3A_22 : vector<1x512xf32> to vector<1000x512xf32>
      %mul3A_34 = arith.mulf %get3A_32, %mul3A_33 : vector<1000x512xf32>
      %add3A_35 = vector.broadcast %sub3A_27 : vector<1x512xf32> to vector<1000x512xf32>
      %add3A_36 = arith.addf %mul3A_34, %add3A_35 : vector<1000x512xf32>
      %gt3A = arith.constant 0.000000e+00 : f32
      %gt3A_37 = vector.broadcast %gt3A : f32 to vector<1000x512xf32>
      %gt3A_38 = arith.cmpf ogt, %add3A_36, %gt3A_37 : vector<1000x512xf32>
      %mul3A_39 = arith.constant 0.00999999977 : f32
      %mul3A_40 = vector.broadcast %mul3A_39 : f32 to vector<1000x512xf32>
      %mul3A_41 = arith.mulf %mul3A_40, %add3A_36 : vector<1000x512xf32>
      %select_n3A = arith.select %gt3A_38, %add3A_36, %mul3A_41 : vector<1000x512xi1>, vector<1000x512xf32>
      %swap3A = arith.constant 0 : index
      %swap3A_42 = arith.constant 0 : index
      %swap3A_43 = vector.load %arg7[%swap3A, %swap3A_42] : memref<1000x512xf32, #tpu.memory_space<vmem>>, vector<1000x512xf32>
      tpu.vector_store %arg7[%swap3A, %swap3A_42], %select_n3A {strides = array<i32>} : memref<1000x512xf32, #tpu.memory_space<vmem>>, vector<1000x512xf32>,
    } else {
    }
    return
  }
  func.func @transform_0(%arg0: i32) -> (i32, i32, i32) {
    %min3A = arith.constant 9 : i32
    %min3A_0 = arith.minsi %arg0, %min3A : i32
    %c0_i32 = arith.constant 0 : i32
    %c0_i32_1 = arith.constant 0 : i32
    %c0_i32_2 = arith.constant 0 : i32
    return %c0_i32, %min3A_0, %c0_i32_1 : i32, i32, i32
  }
  func.func @transform_1(%arg0: i32) -> (i32, i32) {
    %min3A = arith.constant 9 : i32
    %min3A_0 = arith.minsi %arg0, %min3A : i32
    %c0_i32 = arith.constant 0 : i32
    %c0_i32_1 = arith.constant 0 : i32
    return %min3A_0, %c0_i32 : i32, i32
  }
  func.func @transform_2(%arg0: i32) -> (i32, i32, i32) {
    %c0_i32 = arith.constant 0 : i32
    %c0_i32_0 = arith.constant 0 : i32
    %c0_i32_1 = arith.constant 0 : i32
    %c0_i32_2 = arith.constant 0 : i32
    return %c0_i32, %c0_i32_0, %c0_i32_1 : i32, i32, i32
  }
  func.func @transform_3(%arg0: i32) -> (i32, i32) {
    %c0_i32 = arith.constant 0 : i32
    %c0_i32_0 = arith.constant 0 : i32
    %c0_i32_1 = arith.constant 0 : i32
    return %c0_i32, %c0_i32_0 : i32, i32
  }
  func.func @transform_4(%arg0: i32) -> (i32, i32) {
    %c0_i32 = arith.constant 0 : i32
    %c0_i32_0 = arith.constant 0 : i32
    %c0_i32_1 = arith.constant 0 : i32
    return %c0_i32, %c0_i32_0 : i32, i32
  }
  func.func @transform_5(%arg0: i32) -> (i32, i32) {
    %c0_i32 = arith.constant 0 : i32
    %c0_i32_0 = arith.constant 0 : i32
    %c0_i32_1 = arith.constant 0 : i32
    return %c0_i32, %c0_i32_0 : i32, i32
  }
  func.func @transform_6(%arg0: i32) -> (i32, i32) {
    %sub3A = arith.constant 10 : i32
    %sub3A_0 = arith.subi %arg0, %sub3A : i32
    %max3A = arith.constant 0 : i32
    %max3A_1 = arith.maxsi %sub3A_0, %max3A : i32
    %c0_i32 = arith.constant 0 : i32
    %c0_i32_2 = arith.constant 0 : i32
    return %max3A_1, %c0_i32 : i32, i32
  }
}

</mosaic_0001>

<sc_bundles>
// kernel: kernel.6.cloned.1.call-start
scs
__scs_entry_jumppad:
0x0: {  	(pc) =	sbr.rel $0x88, $3  }
0x1: {  	(tag) =	ssettag $0x0;
	lr =	simm.s32 $0x1  }
0x2: {  	[smem:$0x3F9B] =	sst lr;
	_ =	strace $0xD0000000  }
0x3: {  	_ = 	snop  }
0x4: {  	_ = 	snop  }
0x5: {  	_ = 	snop  }
0x6: {  	_ = 	snop  }
0x7: {  	_ = 	snop  }
__scs_overlays_trampoline_lowered:
0x8: {  	[smem:$0x3FAA] =	sst s0  }
0x9: {  	[smem:$0x3FAB] =	sst s1  }
0xa: {  	[smem:$0x3FAC] =	sst s2  }
0xb: {  	[smem:$0x3FAD] =	sst s3  }
0xc: {  	[smem:$0x3FAE] =	sst s4  }
0xd: {  	[smem:$0x3FAF] =	sst s5  }
0xe: {  	[smem:$0x3FB0] =	sst s6  }
0xf: {  	[smem:$0x3FB1] =	sst s7  }
0x10: {  	[smem:$0x3FB2] =	sst s8  }
0x11: {  	[smem:$0x3FB3] =	sst s9;
	s0 =	simm.s32 @!p0 $0x0  }
0x12: {  	s1 =	sld [smem:$0x3F99];
	s0 =	simm.s32 @p0 $0x1  }
0x13: {  	[smem:$0x3FB4] =	sst s0;
	s0 =	simm.s32 @!p1 $0x0  }
0x14: {  	s2 =	sld [smem:$0x3F98];
	s0 =	simm.s32 @p1 $0x1  }
0x15: {  	[smem:$0x3FB5] =	sst s0;
	s0 =	simm.s32 @!p2 $0x0  }
0x16: {  	s3 =	sld [smem:$0x3FDB];
	s0 =	simm.s32 @p2 $0x1  }
0x17: {  	s4 =	simm.s32 $0x1BF5;
	[smem:$0x3FB7] =	sst s0  }
0x18: {  	s0 =	sld [smem:$0x3F9A];
	_ =	swait.ge [sflag:s4], $0x0  }
0x19: {  	s7 =	sld [smem:$0x3F9B]  }
0x1a: {  	s8 =	sadd.s32 $0xFFFFE003, lr  }
0x1b: {  	s9 =	sadd.s32 $0xFFFFFEF7, lr;
	s5 =	simm.s32 $0xFFFFFFFF;
	p2 =	slt.u32 s8, $0xFFFFF086  }
0x1c: {  	p1 =	slt.u32 s9, $0xF7A;
	s5 =	simm.s32 @!p2 $0x0  }
0x1d: {  	s5 =	simm.s32 @p1 $0x1;
	p0 =	seq.s32 s7, s2  }
0x1e: {  	s7 =	smul.u32 @!p0 $0xF7A, s2;
	p2 =	seq.s32 @!p0 s5, $0x0  }
0x1f: {  	s9 =	smul.u32 $0xF7A, s1;
	s8 =	simm.s32 @!p0 $0x1BF5;
	p2 =	por !p2, p0  }
0x20: {  	[sflag:s8] =	ssyncset.s32 @!p0 $0xFFFFF086;
	s6 =	sadd.s32 @!p0 s3, s7;
	s7 =	simm.s32 @!p0 $0x108  }
0x21: {  	s3 =	sadd.s32 s3, s9;
	s6 =	sadd.s32 @!p0 $0x88, s6;
	s7 =	simm.s32 @p2 $0x1082  }
0x22: {  	[simem:s7], [sflag:s8] =	dma.local @!p0 [hbm:s6], $0xF7A  }
0x23: {  	s9 =	sor.u32 $0xD0000000, s2;
	s6 =	simm.s32 $0x108;
	_ =	swait.ge @!p0 [sflag:s8], $0x0  }
0x24: {  	s3 =	sadd.s32 $0x88, s3;
	s6 =	simm.s32 @!p1 $0x1082;
	[sflag:s4] =	ssyncset.s32 $0xFFFFF086  }
0x25: {  	[simem:s6], [sflag:s4] =	dma.local [hbm:s3], $0xF7A  }
0x26: {  	[smem:$0x3F9B] =	sst s1;
	(tag) =	ssettag s2;
	_ =	strace s9  }
0x27: {  	s1 =	sld [smem:$0x3FAB]  }
0x28: {  	s2 =	sld [smem:$0x3FAC]  }
0x29: {  	s4 =	sld [smem:$0x3FAE]  }
0x2a: {  	p0 =	seq.s32 s5, $0x0;
	s5 =	sld [smem:$0x3FAF]  }
0x2b: {  	s6 =	sld [smem:$0x3FB0]  }
0x2c: {  	s7 =	sld [smem:$0x3FB1]  }
0x2d: {  	s3 =	simm.s32 $0x108;
	s8 =	sld [smem:$0x3FB2]  }
0x2e: {  	s3 =	simm.s32 @!p0 $0x1082;
	s9 =	sld [smem:$0x3FB3]  }
0x2f: {  	lr =	sadd.s32 s0, s3;
	s0 =	sld [smem:$0x3FAA]  }
0x30: {  	s3 =	sld [smem:$0x3FAD]  }
0x31: {  	[smem:$0x3FB6] =	sst s10  }
0x32: {  	s10 =	sld [smem:$0x3FB4];
	_ =	sdelay $0x3  }
0x33: {  	p0 =	seq.s32 s10, $0x1;
	s10 =	sld [smem:$0x3FB6];
	_ =	sdelay $0x3  }
0x34: {  	[smem:$0x3FB6] =	sst s10  }
0x35: {  	s10 =	sld [smem:$0x3FB5];
	_ =	sdelay $0x3  }
0x36: {  	p1 =	seq.s32 s10, $0x1;
	s10 =	sld [smem:$0x3FB6];
	_ =	sdelay $0x3  }
0x37: {  	[smem:$0x3FB6] =	sst s10  }
0x38: {  	s10 =	sld [smem:$0x3FB7]  }
0x39: {  	_ = 	snop;
	(pc) =	sbr.ind lr, $3  }
0x3a: {  	_ = 	snop  }
0x3b: {  	_ = 	snop  }
0x3c: {  	p2 =	seq.s32 s10, $0x1;
	s10 =	sld [smem:$0x3FB6]  }
0x3d: {  	_ =	shalt  }
0x3e: {  	_ =	shalt  }
0x3f: {  	_ =	shalt  }
0x40: {  	_ =	shalt  }
0x41: {  	_ =	shalt  }
0x42: {  	_ =	shalt  }
0x43: {  	_ =	shalt  }
0x44: {  	_ =	shalt  }
0x45: {  	_ =	shalt  }
0x46: {  	_ =	shalt  }
0x47: {  	_ =	shalt  }
0x48: {  	_ =	shalt  }
0x49: {  	_ =	shalt  }
0x4a: {  	_ =	shalt  }
0x4b: {  	_ =	shalt  }
0x4c: {  	_ =	shalt  }
0x4d: {  	_ =	shalt  }
0x4e: {  	_ =	shalt  }
0x4f: {  	_ =	shalt  }
0x50: {  	_ =	shalt  }
0x51: {  	_ =	shalt  }
0x52: {  	_ =	shalt  }
0x53: {  	_ =	shalt  }
0x54: {  	_ =	shalt  }
0x55: {  	_ =	shalt  }
0x56: {  	_ =	shalt  }
0x57: {  	_ =	shalt  }
0x58: {  	_ =	shalt  }
0x59: {  	_ =	shalt  }
0x5a: {  	_ =	shalt  }
0x5b: {  	_ =	shalt  }
0x5c: {  	_ =	shalt  }
0x5d: {  	_ =	shalt  }
0x5e: {  	_ =	shalt  }
0x5f: {  	_ =	shalt  }
0x60: {  	_ =	shalt  }
0x61: {  	_ =	shalt  }
0x62: {  	_ =	shalt  }
0x63: {  	_ =	shalt  }
0x64: {  	_ =	shalt  }
0x65: {  	_ =	shalt  }
0x66: {  	_ =	shalt  }
0x67: {  	_ =	shalt  }
0x68: {  	_ =	shalt  }
0x69: {  	_ =	shalt  }
0x6a: {  	_ =	shalt  }
0x6b: {  	_ =	shalt  }
0x6c: {  	_ =	shalt  }
0x6d: {  	_ =	shalt  }
0x6e: {  	_ =	shalt  }
0x6f: {  	_ =	shalt  }
0x70: {  	_ =	shalt  }
0x71: {  	_ =	shalt  }
0x72: {  	_ =	shalt  }
0x73: {  	_ =	shalt  }
0x74: {  	_ =	shalt  }
0x75: {  	_ =	shalt  }
0x76: {  	_ =	shalt  }
0x77: {  	_ =	shalt  }
0x78: {  	_ =	shalt  }
0x79: {  	_ =	shalt  }
0x7a: {  	_ =	shalt  }
0x7b: {  	_ =	shalt  }
0x7c: {  	_ =	shalt  }
0x7d: {  	_ =	shalt  }
0x7e: {  	_ =	shalt  }
0x7f: {  	_ =	shalt  }
0x80: {  	_ =	shalt  }
0x81: {  	_ =	shalt  }
0x82: {  	_ =	shalt  }
0x83: {  	_ =	shalt  }
0x84: {  	_ =	shalt  }
0x85: {  	_ =	shalt  }
0x86: {  	_ =	shalt  }
0x87: {  	_ =	shalt  }
.Lfunc_end0:
.L_simem_size_0:
called_computation_lowered:
.L_overlay_start_0:
0x88: {  	s2 =	sld [smem:$0x3FD9]  }
0x89: {  	s3 =	sld [smem:$0x3FFE];
	_ =	sdelay $0x1  }
0x8a: {  	s1 =	srdreg.scid  }
0x8b: {  	s0 =	sand.u32 $0x1, s1  }
0x8c: {  	s17 =	sshll.u32 s0, $0xA;
	s2 =	sadd.s32 s3, s2  }
0x8d: {  	s2 =	sadd.s32 s2, s17  }
0x8e: {  	[smem:$0x3FC2] =	sst s2  }
0x8f: {  	_ = 	snop  }
0x90: {  	s2 =	sld [smem:$0x3FD0];
	(tm) =	ssettm $0x1  }
0x91: {  	s18 =	sld [smem:$0x3FFB];
	_ =	sdelay $0x3  }
0x92: {  	_ =	strace s18  }
0x93: {  	s3 =	sld [smem:$0x3FFC];
	_ =	sdelay $0x3  }
0x94: {  	_ =	strace s3  }
0x95: {  	s3 =	sld [smem:$0x3FFD];
	_ =	sdelay $0x3  }
0x96: {  	_ =	strace s3  }
0x97: {  	_ =	strace $0x8FFFFFFF  }
0x98: {  	s19 =	sld [smem:$0x3FDB];
	_ =	sdelay $0x1  }
0x99: {  	s4 =	simm.s32 $_scs_section_size  }
0x9a: {  	s5 =	simm.s32 $_size__tile_overlayer_lowered;
	s6 =	simm.s32 $_tile_overlayer_lowered  }
0x9b: {  	s22 =	simm.s32 $0x1BFF;
	s21 =	sshll.u32 s6, $0x1;
	s3 =	sadd.s32 s4, s19  }
0x9c: {  	s7 =	simm.s32 $0x0;
	s20 =	sshll.u32 s5, $0x1;
	s5 =	sadd.s32 s21, s3  }
0x9d: {  	[timem:s7], [sflag:s22] =	dma.local [hbm:s5], s20  }
0x9e: {  	_ =	swait.ge [sflag:s22], s20  }
0x9f: {  	s4 =	ssub.s32 $0x0, s20;
	[sflag:s22] =	ssyncset.done $0x0  }
0xa0: {  	[sflag:s22] =	ssyncadd.s32 s4;
	_ =	sdelay $0x1  }
0xa1: {  	s23 =	simm.s32 $0x1B8B  }
0xa2: {  	_ =	swait.ge [sflag:s23], $0x1  }
0xa3: {  	[sflag:s23] =	ssyncset.done $0x0  }
0xa4: {  	s25 =	simm.s32 $0x1B8E;
	s24 =	sld [smem:$0x3FFE];
	[sflag:s23] =	ssyncadd.s32 $0xFFFFFFFF  }
0xa5: {  	s26 =	simm.s32 $execute0_lowered;
	[smem:$0x3FD2] =	sst s25  }
0xa6: {  	s5 =	sshll.u32 s26, $0x1;
	_ =	strace $0x80000046;
	[dreg:$0x1] =	wrdreg $0xFFFFFFFF  }
0xa7: {  	s28 =	simm.s32 $_size_execute0_lowered;
	s3 =	sadd.s32 s3, s5;
	[dreg:$0x0] =	wrdreg $0x0  }
0xa8: {  	s5 =	sshll.u32 s28, $0x1;
	[dreg:$0x2] =	wrdreg s3  }
0xa9: {  	[dreg:$0x3] =	wrdreg s5  }
0xaa: {  	[dreg:$0x4] =	wrdreg $0xC0  }
0xab: {  	_ =	task [dreg:s7], $0x5FFFF  }
0xac: {  	[dreg:$0x1] =	wrdreg $0xFFFFFFFF  }
0xad: {  	[dreg:$0x0] =	wrdreg $0x60  }
0xae: {  	[dreg:$0x2] =	wrdreg s24  }
0xaf: {  	[dreg:$0x3] =	wrdreg s2  }
0xb0: {  	[dreg:$0x4] =	wrdreg $0x9  }
0xb1: {  	_ =	task.clear_ibuf [dreg:s7], $0x5FFFF;
	_ =	strace $0x90000046  }
0xb2: {  	s29 =	simm.s32 $0x9;
	_ =	strace $0x80000048  }
0xb3: {  	_ =	swait.ge [sflag:s29], $0x1  }
0xb4: {  	[sflag:s29] =	ssyncadd.s32 $0xFFFFFFFF  }
0xb5: {  	_ =	strace $0x90000048  }
0xb6: {  	_ =	sfence  }
0xb7: {  	s30 =	sld [smem:$0x0];
	_ =	sdelay $0x2  }
0xb8: {  	s31 =	sshll.u32 s1, $0xD;
	s1 =	sshrl.u32 s1, $0x2  }
0xb9: {  	s3 =	sand.u32 $0x4000, s31;
	s1 =	sadd.s32 s1, s30  }
0xba: {  	s0 =	sor.u32 s3, s0;
	s1 =	sshll.u32 s1, $0x11  }
0xbb: {  	s0 =	sor.u32 s1, s0  }
0xbc: {  	s0 =	sadd.s32 $0x8F2B, s0  }
0xbd: {  	[sflag:s0] =	ssyncadd.remote.s32 $0x1  }
0xbe: {  	_ =	sfence.sel $0xFFFF  }
0xbf: {  	[dreg:$0x0] =	wrdreg $0xFFFFFFFF;
	(pc) =	sbr.abs _section_cstart, $3  }
0xc0: {  	[dreg:$0x1] =	wrdreg $0xFFFFFFFF  }
0xc1: {  	_ =	task.clear_ibuf [dreg:s7], $0x2FFFF;
	_ =	strace $0x9FFFFFFF  }
0xc2: {  	(tm) =	ssettm $0x7FFFFFFF  }
0xc3: {  	_ =	shalt  }
tec
execute0_lowered:
.L_overlay_start_1:
0x0: {  	(tag) =	ssettag $0x1  }
0x1: {  	s0 =	srdreg.scid;
	s3 =	rddreg [dreg:$0x0]  }
0x2: {  	s6 =	rddreg [dreg:$0x1];
	s2 =	simm.s32 $0x0;
	s10 =	simm.s32 $0x1400  }
0x3: {  	s13 =	simm.s32 $0x100;
	s4 =	sand.u32 $0x1, s0;
	s0 =	stileid.u32  }
0x4: {  	s15 =	simm.s32 $0x0;
	[smem:$0x7FF] =	sst s2;
	s9 =	smul.u32 $0xA000, s4  }
0x5: {  	s1 =	sshll.u32 s4, $0x4;
	s7 =	ssub.s32 $0x2, s4;
	s12 =	smul.u32 $0xA00, s0  }
0x6: {  	s5 =	sor.u32 s0, s1;
	s1 =	rddreg [dreg:$0x2];
	s8 =	sshrl.u32 s7, $0x1  }
0x7: {  	_ =	strace $0x80000047;
	s5 =	smul.u32 $0x280, s5;
	s7 =	ssub.s32 s7, s8  }
0x8: {  	s11 =	sadd.s32 s6, s9;
	s8 =	simm.s32 $0x1;
	s9 =	simm.s32 $0x5000  }
0x9: {  	s6 =	smax.u32 s7, $0x1;
	s7 =	simm.s32 $0x2800;
	s11 =	sadd.s32 s12, s11  }
0xa: {  	s12 =	simm.s32 $0x80;
	s5 =	sadd.s32 s5, s3;
	s3 =	sadd.s32 $0xB200, s3  }
0xb: {  	v0 =	vimm.f32 $1.000000000e+00;
	s14 =	sadd.s32 $0x10, s11;
	s4 =	sadd.s32 $0x6200, s5;
	s5 =	sadd.s32 $0x1200, s5  }
.LBB2_1:
0xc: {  	[tilespmem:s7], [sflag:$0x1] =	stream.linear.gather [hbm4b:s3+s2], $0x2800, $0x38;
	[tilespmem:$0x7800] =	vst v63  }
0xd: {  	_ =	swait.ge [sflag:s8], $0x2800  }
0xe: {  	[sflag:s8] =	ssyncset.done $0x0  }
0xf: {  	[sflag:s8] =	ssyncadd.s32 $0xFFFFD800  }
0x10: {  	[tilespmem:s9], [sflag:$0x1] =	stream.linear.gather [hbm4b:s3+s2], $0x2800, $0x38;
	[tilespmem:$0x7800] =	vst v63  }
0x11: {  	_ =	swait.ge [sflag:s8], $0x2800  }
0x12: {  	[sflag:s8] =	ssyncset.done $0x0  }
0x13: {  	[sflag:s8] =	ssyncadd.s32 $0xFFFFD800  }
0x14: {  	[tilespmem:s2], [sflag:$0x1] =	stream.linear.gather [hbm4b:s4+s2], $0x1400, $0x38;
	[tilespmem:$0x7800] =	vst v63  }
0x15: {  	_ =	swait.ge [sflag:s8], $0x1400  }
0x16: {  	[sflag:s8] =	ssyncset.done $0x0  }
0x17: {  	[sflag:s8] =	ssyncadd.s32 $0xFFFFEC00  }
0x18: {  	[tilespmem:s10], [sflag:$0x1] =	stream.linear.gather [hbm4b:s5+s2], $0x1400, $0x38;
	[tilespmem:$0x7800] =	vst v63  }
0x19: {  	_ =	swait.ge [sflag:s8], $0x1400  }
0x1a: {  	[sflag:s8] =	ssyncset.done $0x0  }
0x1b: {  	s16 =	simm.s32 $0x0;
	[sflag:s8] =	ssyncadd.s32 $0xFFFFEC00  }
.LBB2_2:
0x1c: {  	s17 =	sshra.s32 s16, $0x2  }
0x1d: {  	v1 =	vld [tilespmem:s17+$0x0];
	_ =	sdelay $0x7  }
0x1e: {  	[tilespmem:v1+s7+$0x0] =	vst.idx.add.f32.msk $0xffff, v0  }
0x1f: {  	v1 =	vld [tilespmem:s17+$0x1400];
	_ =	sdelay $0x7  }
0x20: {  	[tilespmem:v1+s9+$0x0] =	vst.idx.add.f32.msk $0xffff, v0  }
0x21: {  	v1 =	vld [tilespmem:s17+$0x10];
	_ =	sdelay $0x7  }
0x22: {  	[tilespmem:v1+s7+$0x0] =	vst.idx.add.f32.msk $0xffff, v0  }
0x23: {  	v1 =	vld [tilespmem:s17+$0x1410];
	_ =	sdelay $0x7  }
0x24: {  	[tilespmem:v1+s9+$0x0] =	vst.idx.add.f32.msk $0xffff, v0  }
0x25: {  	v1 =	vld [tilespmem:s17+$0x20];
	_ =	sdelay $0x7  }
0x26: {  	[tilespmem:v1+s7+$0x0] =	vst.idx.add.f32.msk $0xffff, v0  }
0x27: {  	v1 =	vld [tilespmem:s17+$0x1420];
	_ =	sdelay $0x7  }
0x28: {  	[tilespmem:v1+s9+$0x0] =	vst.idx.add.f32.msk $0xffff, v0  }
0x29: {  	v1 =	vld [tilespmem:s17+$0x30];
	_ =	sdelay $0x7  }
0x2a: {  	[tilespmem:v1+s7+$0x0] =	vst.idx.add.f32.msk $0xffff, v0  }
0x2b: {  	v1 =	vld [tilespmem:s17+$0x1430];
	_ =	sdelay $0x7  }
0x2c: {  	[tilespmem:v1+s9+$0x0] =	vst.idx.add.f32.msk $0xffff, v0  }
0x2d: {  	v1 =	vld [tilespmem:s17+$0x40];
	_ =	sdelay $0x7  }
0x2e: {  	[tilespmem:v1+s7+$0x0] =	vst.idx.add.f32.msk $0xffff, v0  }
0x2f: {  	v1 =	vld [tilespmem:s17+$0x1440];
	_ =	sdelay $0x7  }
0x30: {  	[tilespmem:v1+s9+$0x0] =	vst.idx.add.f32.msk $0xffff, v0  }
0x31: {  	v1 =	vld [tilespmem:s17+$0x50];
	_ =	sdelay $0x7  }
0x32: {  	[tilespmem:v1+s7+$0x0] =	vst.idx.add.f32.msk $0xffff, v0  }
0x33: {  	v1 =	vld [tilespmem:s17+$0x1450];
	_ =	sdelay $0x7  }
0x34: {  	[tilespmem:v1+s9+$0x0] =	vst.idx.add.f32.msk $0xffff, v0  }
0x35: {  	v1 =	vld [tilespmem:s17+$0x60];
	_ =	sdelay $0x7  }
0x36: {  	[tilespmem:v1+s7+$0x0] =	vst.idx.add.f32.msk $0xffff, v0  }
0x37: {  	v1 =	vld [tilespmem:s17+$0x1460];
	_ =	sdelay $0x7  }
0x38: {  	[tilespmem:v1+s9+$0x0] =	vst.idx.add.f32.msk $0xffff, v0  }
0x39: {  	v1 =	vld [tilespmem:s17+$0x70];
	_ =	sdelay $0x7  }
0x3a: {  	[tilespmem:v1+s7+$0x0] =	vst.idx.add.f32.msk $0xffff, v0  }
0x3b: {  	v1 =	vld [tilespmem:s17+$0x1470];
	_ =	sdelay $0x2  }
0x3c: {  	p0 =	sne.s32 s16, $0x4E00  }
.Ltmp0:
0x3d: {  	_ = 	snop;
	(pc) =	sbr.rel @p0 .LBB2_2-.Ltmp0, $2  }
0x3e: {  	_ =	sdelay $0x2  }
0x3f: {  	s16 =	sadd.s32 $0x200, s16;
	[tilespmem:v1+s9+$0x0] =	vst.idx.add.f32.msk $0xffff, v0  }
0x40: {  	[hbm4b:s11+s12] =	stream.strided.scatter [tilespmem:s7], [sflag:$0x1], $0x2800, s13, s12, $0x38;
	[tilespmem:$0x7800] =	vst v63  }
0x41: {  	s15 =	sadd.s32 $0x1, s15;
	_ =	swait.ge [sflag:s8], $0x2800  }
0x42: {  	p0 =	sne.s32 s15, s6;
	[sflag:s8] =	ssyncset.done $0x0  }
.Ltmp1:
0x43: {  	[sflag:s8] =	ssyncadd.s32 $0xFFFFD800;
	(pc) =	sbr.rel @p0 .LBB2_1-.Ltmp1, $4  }
0x44: {  	[hbm4b:s14+s12] =	stream.strided.scatter [tilespmem:s9], [sflag:$0x1], $0x2800, s13, s12, $0x38;
	[tilespmem:$0x7800] =	vst v63  }
0x45: {  	_ =	swait.ge [sflag:s8], $0x2800  }
0x46: {  	[sflag:s8] =	ssyncset.done $0x0  }
0x47: {  	[sflag:s8] =	ssyncadd.s32 $0xFFFFD800  }
0x48: {  	_ =	sfence.sel $0x180000  }
0x49: {  	[bflag:$0x0] =	sbarrier.arrive $0xFFFF  }
0x4a: {  	p0 =	sne.s32 s0, $0x0;
	_ =	strace $0x90000047  }
0x4b: {  	s0 =	sadd.s32 @!p0 $0x100000, s1;
	[bflag:$0x2] =	sbarrier.arrive $0xFFFF  }
0x4c: {  	[sflag:s0] =	ssyncadd.tile.s32 @!p0 $0x1;
	_ =	shalt  }
.Lfunc_end2:
_tile_overlayer_lowered:
.L_overlay_start_2:
0x4d: {  	(tag) =	ssettag $0x2  }
0x4e: {  	s0 =	rddreg [dreg:$0x0];
	s2 =	stileid.u32  }
0x4f: {  	s1 =	rddreg [dreg:$0x1];
	p0 =	sne.s32 s2, $0x0  }
0x50: {  	s3 =	rddreg [dreg:$0x2];
	[bflag:$0x3] =	sbarrier.arrive $0xFFFF;
	s2 =	simm.s32 @!p0 $0x1C01  }
0x51: {  	[timem:s3], [sflag:s2] =	dma.local @!p0 [hbm:s0], s1  }
0x52: {  	s0 =	simm.s32 @!p0 $0x1  }
0x53: {  	_ =	swait.ge @!p0 [sflag:s0], s1  }
0x54: {  	s1 =	ssub.s32 @!p0 $0x0, s1;
	[sflag:s0] =	ssyncset.done @!p0 $0x0  }
0x55: {  	[sflag:s0] =	ssyncadd.s32 @!p0 s1  }
0x56: {  	[bflag:$0x3] =	sbarrier.arrive $0xFFFF  }
0x57: {  	_ =	shalt  }

// kernel: kernel.9.cloned.1.call-start
scs
__scs_entry_jumppad:
0x0: {  	(pc) =	sbr.rel $0x88, $3  }
0x1: {  	(tag) =	ssettag $0x0;
	lr =	simm.s32 $0x1  }
0x2: {  	[smem:$0x3F9B] =	sst lr;
	_ =	strace $0xD0000000  }
0x3: {  	_ = 	snop  }
0x4: {  	_ = 	snop  }
0x5: {  	_ = 	snop  }
0x6: {  	_ = 	snop  }
0x7: {  	_ = 	snop  }
__scs_overlays_trampoline_lowered:
0x8: {  	[smem:$0x3FAA] =	sst s0  }
0x9: {  	[smem:$0x3FAB] =	sst s1  }
0xa: {  	[smem:$0x3FAC] =	sst s2  }
0xb: {  	[smem:$0x3FAD] =	sst s3  }
0xc: {  	[smem:$0x3FAE] =	sst s4  }
0xd: {  	[smem:$0x3FAF] =	sst s5  }
0xe: {  	[smem:$0x3FB0] =	sst s6  }
0xf: {  	[smem:$0x3FB1] =	sst s7  }
0x10: {  	[smem:$0x3FB2] =	sst s8  }
0x11: {  	[smem:$0x3FB3] =	sst s9;
	s0 =	simm.s32 @!p0 $0x0  }
0x12: {  	s1 =	sld [smem:$0x3F99];
	s0 =	simm.s32 @p0 $0x1  }
0x13: {  	[smem:$0x3FB4] =	sst s0;
	s0 =	simm.s32 @!p1 $0x0  }
0x14: {  	s2 =	sld [smem:$0x3F98];
	s0 =	simm.s32 @p1 $0x1  }
0x15: {  	[smem:$0x3FB5] =	sst s0;
	s0 =	simm.s32 @!p2 $0x0  }
0x16: {  	s3 =	sld [smem:$0x3FDB];
	s0 =	simm.s32 @p2 $0x1  }
0x17: {  	s4 =	simm.s32 $0x1BF5;
	[smem:$0x3FB7] =	sst s0  }
0x18: {  	s0 =	sld [smem:$0x3F9A];
	_ =	swait.ge [sflag:s4], $0x0  }
0x19: {  	s7 =	sld [smem:$0x3F9B]  }
0x1a: {  	s8 =	sadd.s32 $0xFFFFE003, lr  }
0x1b: {  	s9 =	sadd.s32 $0xFFFFFEF7, lr;
	s5 =	simm.s32 $0xFFFFFFFF;
	p2 =	slt.u32 s8, $0xFFFFF086  }
0x1c: {  	p1 =	slt.u32 s9, $0xF7A;
	s5 =	simm.s32 @!p2 $0x0  }
0x1d: {  	s5 =	simm.s32 @p1 $0x1;
	p0 =	seq.s32 s7, s2  }
0x1e: {  	s7 =	smul.u32 @!p0 $0xF7A, s2;
	p2 =	seq.s32 @!p0 s5, $0x0  }
0x1f: {  	s9 =	smul.u32 $0xF7A, s1;
	s8 =	simm.s32 @!p0 $0x1BF5;
	p2 =	por !p2, p0  }
0x20: {  	[sflag:s8] =	ssyncset.s32 @!p0 $0xFFFFF086;
	s6 =	sadd.s32 @!p0 s3, s7;
	s7 =	simm.s32 @!p0 $0x108  }
0x21: {  	s3 =	sadd.s32 s3, s9;
	s6 =	sadd.s32 @!p0 $0x88, s6;
	s7 =	simm.s32 @p2 $0x1082  }
0x22: {  	[simem:s7], [sflag:s8] =	dma.local @!p0 [hbm:s6], $0xF7A  }
0x23: {  	s9 =	sor.u32 $0xD0000000, s2;
	s6 =	simm.s32 $0x108;
	_ =	swait.ge @!p0 [sflag:s8], $0x0  }
0x24: {  	s3 =	sadd.s32 $0x88, s3;
	s6 =	simm.s32 @!p1 $0x1082;
	[sflag:s4] =	ssyncset.s32 $0xFFFFF086  }
0x25: {  	[simem:s6], [sflag:s4] =	dma.local [hbm:s3], $0xF7A  }
0x26: {  	[smem:$0x3F9B] =	sst s1;
	(tag) =	ssettag s2;
	_ =	strace s9  }
0x27: {  	s1 =	sld [smem:$0x3FAB]  }
0x28: {  	s2 =	sld [smem:$0x3FAC]  }
0x29: {  	s4 =	sld [smem:$0x3FAE]  }
0x2a: {  	p0 =	seq.s32 s5, $0x0;
	s5 =	sld [smem:$0x3FAF]  }
0x2b: {  	s6 =	sld [smem:$0x3FB0]  }
0x2c: {  	s7 =	sld [smem:$0x3FB1]  }
0x2d: {  	s3 =	simm.s32 $0x108;
	s8 =	sld [smem:$0x3FB2]  }
0x2e: {  	s3 =	simm.s32 @!p0 $0x1082;
	s9 =	sld [smem:$0x3FB3]  }
0x2f: {  	lr =	sadd.s32 s0, s3;
	s0 =	sld [smem:$0x3FAA]  }
0x30: {  	s3 =	sld [smem:$0x3FAD]  }
0x31: {  	[smem:$0x3FB6] =	sst s10  }
0x32: {  	s10 =	sld [smem:$0x3FB4];
	_ =	sdelay $0x3  }
0x33: {  	p0 =	seq.s32 s10, $0x1;
	s10 =	sld [smem:$0x3FB6];
	_ =	sdelay $0x3  }
0x34: {  	[smem:$0x3FB6] =	sst s10  }
0x35: {  	s10 =	sld [smem:$0x3FB5];
	_ =	sdelay $0x3  }
0x36: {  	p1 =	seq.s32 s10, $0x1;
	s10 =	sld [smem:$0x3FB6];
	_ =	sdelay $0x3  }
0x37: {  	[smem:$0x3FB6] =	sst s10  }
0x38: {  	s10 =	sld [smem:$0x3FB7]  }
0x39: {  	_ = 	snop;
	(pc) =	sbr.ind lr, $3  }
0x3a: {  	_ = 	snop  }
0x3b: {  	_ = 	snop  }
0x3c: {  	p2 =	seq.s32 s10, $0x1;
	s10 =	sld [smem:$0x3FB6]  }
0x3d: {  	_ =	shalt  }
0x3e: {  	_ =	shalt  }
0x3f: {  	_ =	shalt  }
0x40: {  	_ =	shalt  }
0x41: {  	_ =	shalt  }
0x42: {  	_ =	shalt  }
0x43: {  	_ =	shalt  }
0x44: {  	_ =	shalt  }
0x45: {  	_ =	shalt  }
0x46: {  	_ =	shalt  }
0x47: {  	_ =	shalt  }
0x48: {  	_ =	shalt  }
0x49: {  	_ =	shalt  }
0x4a: {  	_ =	shalt  }
0x4b: {  	_ =	shalt  }
0x4c: {  	_ =	shalt  }
0x4d: {  	_ =	shalt  }
0x4e: {  	_ =	shalt  }
0x4f: {  	_ =	shalt  }
0x50: {  	_ =	shalt  }
0x51: {  	_ =	shalt  }
0x52: {  	_ =	shalt  }
0x53: {  	_ =	shalt  }
0x54: {  	_ =	shalt  }
0x55: {  	_ =	shalt  }
0x56: {  	_ =	shalt  }
0x57: {  	_ =	shalt  }
0x58: {  	_ =	shalt  }
0x59: {  	_ =	shalt  }
0x5a: {  	_ =	shalt  }
0x5b: {  	_ =	shalt  }
0x5c: {  	_ =	shalt  }
0x5d: {  	_ =	shalt  }
0x5e: {  	_ =	shalt  }
0x5f: {  	_ =	shalt  }
0x60: {  	_ =	shalt  }
0x61: {  	_ =	shalt  }
0x62: {  	_ =	shalt  }
0x63: {  	_ =	shalt  }
0x64: {  	_ =	shalt  }
0x65: {  	_ =	shalt  }
0x66: {  	_ =	shalt  }
0x67: {  	_ =	shalt  }
0x68: {  	_ =	shalt  }
0x69: {  	_ =	shalt  }
0x6a: {  	_ =	shalt  }
0x6b: {  	_ =	shalt  }
0x6c: {  	_ =	shalt  }
0x6d: {  	_ =	shalt  }
0x6e: {  	_ =	shalt  }
0x6f: {  	_ =	shalt  }
0x70: {  	_ =	shalt  }
0x71: {  	_ =	shalt  }
0x72: {  	_ =	shalt  }
0x73: {  	_ =	shalt  }
0x74: {  	_ =	shalt  }
0x75: {  	_ =	shalt  }
0x76: {  	_ =	shalt  }
0x77: {  	_ =	shalt  }
0x78: {  	_ =	shalt  }
0x79: {  	_ =	shalt  }
0x7a: {  	_ =	shalt  }
0x7b: {  	_ =	shalt  }
0x7c: {  	_ =	shalt  }
0x7d: {  	_ =	shalt  }
0x7e: {  	_ =	shalt  }
0x7f: {  	_ =	shalt  }
0x80: {  	_ =	shalt  }
0x81: {  	_ =	shalt  }
0x82: {  	_ =	shalt  }
0x83: {  	_ =	shalt  }
0x84: {  	_ =	shalt  }
0x85: {  	_ =	shalt  }
0x86: {  	_ =	shalt  }
0x87: {  	_ =	shalt  }
.Lfunc_end0:
.L_simem_size_0:
called_computation.1_lowered:
.L_overlay_start_0:
0x88: {  	s2 =	sld [smem:$0x3FD9]  }
0x89: {  	s3 =	sld [smem:$0x3FFE];
	_ =	sdelay $0x1  }
0x8a: {  	s1 =	srdreg.scid  }
0x8b: {  	s0 =	sand.u32 $0x1, s1  }
0x8c: {  	s17 =	sshll.u32 s0, $0xA;
	s2 =	sadd.s32 s3, s2  }
0x8d: {  	s2 =	sadd.s32 s2, s17  }
0x8e: {  	[smem:$0x3FC2] =	sst s2  }
0x8f: {  	_ = 	snop  }
0x90: {  	s2 =	sld [smem:$0x3FD0];
	(tm) =	ssettm $0x1  }
0x91: {  	s18 =	sld [smem:$0x3FFB];
	_ =	sdelay $0x3  }
0x92: {  	_ =	strace s18  }
0x93: {  	s3 =	sld [smem:$0x3FFC];
	_ =	sdelay $0x3  }
0x94: {  	_ =	strace s3  }
0x95: {  	s3 =	sld [smem:$0x3FFD];
	_ =	sdelay $0x3  }
0x96: {  	_ =	strace s3  }
0x97: {  	_ =	strace $0x8FFFFFFF  }
0x98: {  	s19 =	sld [smem:$0x3FDB];
	_ =	sdelay $0x1  }
0x99: {  	s4 =	simm.s32 $_scs_section_size  }
0x9a: {  	s5 =	simm.s32 $_size__tile_overlayer_lowered;
	s6 =	simm.s32 $_tile_overlayer_lowered  }
0x9b: {  	s22 =	simm.s32 $0x1BFF;
	s21 =	sshll.u32 s6, $0x1;
	s3 =	sadd.s32 s4, s19  }
0x9c: {  	s7 =	simm.s32 $0x0;
	s20 =	sshll.u32 s5, $0x1;
	s5 =	sadd.s32 s21, s3  }
0x9d: {  	[timem:s7], [sflag:s22] =	dma.local [hbm:s5], s20  }
0x9e: {  	_ =	swait.ge [sflag:s22], s20  }
0x9f: {  	s4 =	ssub.s32 $0x0, s20;
	[sflag:s22] =	ssyncset.done $0x0  }
0xa0: {  	[sflag:s22] =	ssyncadd.s32 s4;
	_ =	sdelay $0x1  }
0xa1: {  	s23 =	simm.s32 $0x1B8B  }
0xa2: {  	_ =	swait.ge [sflag:s23], $0x1  }
0xa3: {  	[sflag:s23] =	ssyncset.done $0x0  }
0xa4: {  	s25 =	simm.s32 $0x1B8E;
	s24 =	sld [smem:$0x3FFE];
	[sflag:s23] =	ssyncadd.s32 $0xFFFFFFFF  }
0xa5: {  	s26 =	simm.s32 $execute0_lowered;
	[smem:$0x3FD2] =	sst s25  }
0xa6: {  	s5 =	sshll.u32 s26, $0x1;
	_ =	strace $0x80000049;
	[dreg:$0x1] =	wrdreg $0xFFFFFFFF  }
0xa7: {  	s28 =	simm.s32 $_size_execute0_lowered;
	s3 =	sadd.s32 s3, s5;
	[dreg:$0x0] =	wrdreg $0x0  }
0xa8: {  	s5 =	sshll.u32 s28, $0x1;
	[dreg:$0x2] =	wrdreg s3  }
0xa9: {  	[dreg:$0x3] =	wrdreg s5  }
0xaa: {  	[dreg:$0x4] =	wrdreg $0xC0  }
0xab: {  	_ =	task [dreg:s7], $0x5FFFF  }
0xac: {  	[dreg:$0x1] =	wrdreg $0xFFFFFFFF  }
0xad: {  	[dreg:$0x0] =	wrdreg $0x60  }
0xae: {  	[dreg:$0x2] =	wrdreg s2  }
0xaf: {  	[dreg:$0x3] =	wrdreg s24  }
0xb0: {  	[dreg:$0x4] =	wrdreg $0xA8000  }
0xb1: {  	[dreg:$0x5] =	wrdreg $0x9  }
0xb2: {  	_ =	task.clear_ibuf [dreg:s7], $0x6FFFF;
	_ =	strace $0x90000049  }
0xb3: {  	s29 =	simm.s32 $0x9;
	_ =	strace $0x8000004B  }
0xb4: {  	_ =	swait.ge [sflag:s29], $0x1  }
0xb5: {  	[sflag:s29] =	ssyncadd.s32 $0xFFFFFFFF  }
0xb6: {  	_ =	strace $0x9000004B  }
0xb7: {  	_ =	sfence  }
0xb8: {  	s30 =	sld [smem:$0x0];
	_ =	sdelay $0x2  }
0xb9: {  	s31 =	sshll.u32 s1, $0xD;
	s1 =	sshrl.u32 s1, $0x2  }
0xba: {  	s3 =	sand.u32 $0x4000, s31;
	s1 =	sadd.s32 s1, s30  }
0xbb: {  	s0 =	sor.u32 s3, s0;
	s1 =	sshll.u32 s1, $0x11  }
0xbc: {  	s0 =	sor.u32 s1, s0  }
0xbd: {  	s0 =	sadd.s32 $0x8F2B, s0  }
0xbe: {  	[sflag:s0] =	ssyncadd.remote.s32 $0x1  }
0xbf: {  	_ =	sfence.sel $0xFFFF  }
0xc0: {  	[dreg:$0x0] =	wrdreg $0xFFFFFFFF;
	(pc) =	sbr.abs _section_cstart, $3  }
0xc1: {  	[dreg:$0x1] =	wrdreg $0xFFFFFFFF  }
0xc2: {  	_ =	task.clear_ibuf [dreg:s7], $0x2FFFF;
	_ =	strace $0x9FFFFFFF  }
0xc3: {  	(tm) =	ssettm $0x7FFFFFFF  }
tec
execute0_lowered:
.L_overlay_start_1:
0x0: {  	(tag) =	ssettag $0x1  }
0x1: {  	s4 =	rddreg [dreg:$0x0]  }
0x2: {  	s5 =	rddreg [dreg:$0x1]  }
0x3: {  	s1 =	rddreg [dreg:$0x2]  }
0x4: {  	s0 =	rddreg [dreg:$0x3]  }
0x5: {  	s2 =	simm.s32 $0x0;
	s3 =	srdreg.scid;
	s15 =	simm.s32 $0x80  }
0x6: {  	s16 =	simm.s32 $0x2800;
	s17 =	simm.s32 $0x6800;
	s18 =	simm.s32 $0x1  }
0x7: {  	s19 =	simm.s32 $0x2;
	s20 =	simm.s32 $0x2700;
	s6 =	sand.u32 $0x1, s3  }
0x8: {  	s21 =	simm.s32 $0x2780;
	s3 =	stileid.u32;
	s7 =	smul.u32 $0x28000, s6  }
0x9: {  	[smem:$0x7FF] =	sst s2;
	s9 =	sadd.s32 $0x6200, s5;
	s8 =	smul.u32 $0x50000, s3  }
0xa: {  	s10 =	sadd.s32 $0x1200, s5;
	_ =	strace $0x8000004A;
	s22 =	smul.u32 $0x2800, s3  }
0xb: {  	s28 =	ssub.s32 $0x2, s6;
	s29 =	sshll.u32 s3, $0x6;
	s30 =	smul.u32 $0x500, s3  }
0xc: {  	s6 =	sshrl.u32 s28, $0x1;
	s11 =	sadd.s32 s7, s5;
	s8 =	sshrl.u32 s8, $0x2  }
0xd: {  	s12 =	ssub.s32 s28, s6;
	s4 =	sadd.s32 s4, s7;
	s31 =	sshrl.u32 s22, $0x3  }
0xe: {  	s6 =	sor.u32 $0x1C03, s29;
	s7 =	sadd.s32 s9, s30;
	s13 =	sadd.s32 s8, s1  }
0xf: {  	s5 =	sadd.s32 s22, s4;
	s14 =	sadd.s32 $0x280, s31;
	s8 =	sadd.s32 s10, s30  }
0x10: {  	s23 =	sadd.s32 $0xB200, s11;
	s11 =	smax.u32 s12, $0x1;
	s9 =	sadd.s32 s9, s14  }
0x11: {  	s10 =	sadd.s32 s10, s14;
	s12 =	sshrl.u32 s13, $0x3;
	s13 =	simm.s32 $0x3  }
0x12: {  	s14 =	simm.s32 $0x1400;
	s22 =	sadd.s32 s22, s23;
	s23 =	simm.s32 $0x0  }
.LBB2_1:
0x13: {  	[spmem:s12], [sflag:s6] =	dma.local [hbm:s5], $0x2800  }
0x14: {  	_ =	swait.ge [sflag:s13], $0x2800  }
0x15: {  	[sflag:s13] =	ssyncset.done $0x0  }
0x16: {  	[sflag:s13] =	ssyncadd.s32 $0xFFFFD800  }
0x17: {  	[bflag:$0x0] =	sbarrier.arrive $0xFFFF  }
0x18: {  	[tilespmem:s2], [sflag:$0x3] =	stream.linear.gather [hbm4b:s7+s2], $0x1400, $0x38;
	[tilespmem:$0x1E800] =	vst v63  }
0x19: {  	_ =	swait.ge [sflag:s13], $0x1400  }
0x1a: {  	[sflag:s13] =	ssyncset.done $0x0  }
0x1b: {  	[sflag:s13] =	ssyncadd.s32 $0xFFFFEC00  }
0x1c: {  	[tilespmem:s14], [sflag:$0x3] =	stream.linear.gather [hbm4b:s8+s2], $0x1400, $0x38;
	[tilespmem:$0x1E800] =	vst v63  }
0x1d: {  	_ =	swait.ge [sflag:s13], $0x1400  }
0x1e: {  	[sflag:s13] =	ssyncset.done $0x0  }
0x1f: {  	[sflag:s13] =	ssyncadd.s32 $0xFFFFEC00  }
0x20: {  	[tilespmem:s16], [sflag:$0x1] =	stream.indirect.gather [hbm4b:s4+s15], $0x80, s2, s15, $0xb8;
	[tilespmem:$0x1E800] =	vst v63  }
0x21: {  	_ = 	snop  }
0x22: {  	[tilespmem:s17], [sflag:$0x2] =	stream.indirect.gather [hbm4b:s4+s15], $0x80, s15, s15, $0xb8;
	[tilespmem:$0x1E800] =	vst v63  }
0x23: {  	_ =	swait.ge [sflag:s18], $0x4000  }
0x24: {  	[sflag:s18] =	ssyncset.done $0x0  }
0x25: {  	s24 =	simm.s32 $0x1400;
	[sflag:s18] =	ssyncadd.s32 $0xFFFFC000  }
0x26: {  	[spmem:s1] =	stream.indirect.scatter.add.f32 [tilespmem:s16], [sflag:$0x3], $0x80, s24, s15, $0xb8;
	[tilespmem:$0x1E800] =	vst v63  }
0x27: {  	_ =	swait.ge [sflag:s13], $0x4000  }
0x28: {  	[sflag:s13] =	ssyncset.done $0x0  }
0x29: {  	s30 =	simm.s32 $0x100;
	[sflag:s13] =	ssyncadd.s32 $0xFFFFC000  }
0x2a: {  	[tilespmem:s16], [sflag:$0x1] =	stream.indirect.gather [hbm4b:s4+s15], $0x80, s30, s15, $0xb8;
	[tilespmem:$0x1E800] =	vst v63  }
0x2b: {  	_ =	swait.ge [sflag:s19], $0x4000  }
0x2c: {  	[sflag:s19] =	ssyncset.done $0x0  }
0x2d: {  	s31 =	simm.s32 $0x1480;
	[sflag:s19] =	ssyncadd.s32 $0xFFFFC000  }
0x2e: {  	[spmem:s1] =	stream.indirect.scatter.add.f32 [tilespmem:s17], [sflag:$0x3], $0x80, s31, s15, $0xb8;
	[tilespmem:$0x1E800] =	vst v63  }
0x2f: {  	_ =	swait.ge [sflag:s13], $0x4000  }
0x30: {  	[sflag:s13] =	ssyncset.done $0x0  }
0x31: {  	s25 =	simm.s32 $0x180;
	s24 =	simm.s32 $0x400;
	[sflag:s13] =	ssyncadd.s32 $0xFFFFC000  }
.LBB2_2:
0x32: {  	[tilespmem:s17], [sflag:$0x2] =	stream.indirect.gather [hbm4b:s4+s15], $0x80, s25, s15, $0xb8;
	[tilespmem:$0x1E800] =	vst v63  }
0x33: {  	s25 =	smov.u32 s24  }
0x34: {  	p0 =	sne.s32 s24, $0x4800;
	s24 =	sadd.s32 $0x400, s24;
	_ =	swait.ge [sflag:s18], $0x4000  }
0x35: {  	s25 =	sshra.s32 s25, $0x2;
	[sflag:s18] =	ssyncset.done $0x0  }
0x36: {  	s26 =	sadd.s32 $0x1400, s25;
	[sflag:s18] =	ssyncadd.s32 $0xFFFFC000  }
0x37: {  	[spmem:s1] =	stream.indirect.scatter.add.f32 [tilespmem:s16], [sflag:$0x3], $0x80, s26, s15, $0xb8;
	[tilespmem:$0x1E800] =	vst v63  }
0x38: {  	_ =	swait.ge [sflag:s13], $0x4000  }
0x39: {  	[sflag:s13] =	ssyncset.done $0x0  }
0x3a: {  	s26 =	sadd.s32 $0x100, s25;
	[sflag:s13] =	ssyncadd.s32 $0xFFFFC000  }
0x3b: {  	[tilespmem:s16], [sflag:$0x1] =	stream.indirect.gather [hbm4b:s4+s15], $0x80, s26, s15, $0xb8;
	[tilespmem:$0x1E800] =	vst v63  }
0x3c: {  	_ =	swait.ge [sflag:s19], $0x4000  }
0x3d: {  	[sflag:s19] =	ssyncset.done $0x0  }
.Ltmp0:
0x3e: {  	s26 =	sadd.s32 $0x1480, s25;
	[sflag:s19] =	ssyncadd.s32 $0xFFFFC000;
	(pc) =	sbr.rel @p0 .LBB2_2-.Ltmp0, $4  }
0x3f: {  	[spmem:s1] =	stream.indirect.scatter.add.f32 [tilespmem:s17], [sflag:$0x3], $0x80, s26, s15, $0xb8;
	[tilespmem:$0x1E800] =	vst v63  }
0x40: {  	_ =	swait.ge [sflag:s13], $0x4000  }
0x41: {  	[sflag:s13] =	ssyncset.done $0x0  }
0x42: {  	s25 =	sadd.s32 $0x180, s25;
	[sflag:s13] =	ssyncadd.s32 $0xFFFFC000  }
0x43: {  	[tilespmem:s17], [sflag:$0x2] =	stream.indirect.gather [hbm4b:s4+s15], $0x80, s25, s15, $0xb8;
	[tilespmem:$0x1E800] =	vst v63  }
0x44: {  	_ =	swait.ge [sflag:s18], $0x4000  }
0x45: {  	[sflag:s18] =	ssyncset.done $0x0  }
0x46: {  	[sflag:s18] =	ssyncadd.s32 $0xFFFFC000  }
0x47: {  	[spmem:s1] =	stream.indirect.scatter.add.f32 [tilespmem:s16], [sflag:$0x3], $0x80, s20, s15, $0xb8;
	[tilespmem:$0x1E800] =	vst v63  }
0x48: {  	_ =	swait.ge [sflag:s13], $0x4000  }
0x49: {  	[sflag:s13] =	ssyncset.done $0x0  }
0x4a: {  	[sflag:s13] =	ssyncadd.s32 $0xFFFFC000  }
0x4b: {  	_ =	swait.ge [sflag:s19], $0x4000  }
0x4c: {  	[sflag:s19] =	ssyncset.done $0x0  }
0x4d: {  	[sflag:s19] =	ssyncadd.s32 $0xFFFFC000  }
0x4e: {  	[spmem:s1] =	stream.indirect.scatter.add.f32 [tilespmem:s17], [sflag:$0x3], $0x80, s21, s15, $0xb8;
	[tilespmem:$0x1E800] =	vst v63  }
0x4f: {  	_ =	swait.ge [sflag:s13], $0x4000  }
0x50: {  	[sflag:s13] =	ssyncset.done $0x0  }
0x51: {  	s24 =	simm.s32 $0x0;
	[sflag:s13] =	ssyncadd.s32 $0xFFFFC000  }
0x52: {  	[tilespmem:s24], [sflag:$0x3] =	stream.linear.gather [hbm4b:s9+s24], $0x1400, $0x38;
	[tilespmem:$0x1E800] =	vst v63  }
0x53: {  	_ =	swait.ge [sflag:s13], $0x1400  }
0x54: {  	[sflag:s13] =	ssyncset.done $0x0  }
0x55: {  	[sflag:s13] =	ssyncadd.s32 $0xFFFFEC00  }
0x56: {  	[tilespmem:s14], [sflag:$0x3] =	stream.linear.gather [hbm4b:s10+s24], $0x1400, $0x38;
	[tilespmem:$0x1E800] =	vst v63  }
0x57: {  	_ =	swait.ge [sflag:s13], $0x1400  }
0x58: {  	[sflag:s13] =	ssyncset.done $0x0  }
0x59: {  	[sflag:s13] =	ssyncadd.s32 $0xFFFFEC00  }
0x5a: {  	[tilespmem:s16], [sflag:$0x1] =	stream.indirect.gather [hbm4b:s4+s15], $0x80, s24, s15, $0xb8;
	[tilespmem:$0x1E800] =	vst v63  }
0x5b: {  	_ = 	snop  }
0x5c: {  	[tilespmem:s17], [sflag:$0x2] =	stream.indirect.gather [hbm4b:s4+s15], $0x80, s15, s15, $0xb8;
	[tilespmem:$0x1E800] =	vst v63  }
0x5d: {  	_ =	swait.ge [sflag:s18], $0x4000  }
0x5e: {  	[sflag:s18] =	ssyncset.done $0x0  }
0x5f: {  	s29 =	simm.s32 $0x1400;
	[sflag:s18] =	ssyncadd.s32 $0xFFFFC000  }
0x60: {  	[spmem:s1] =	stream.indirect.scatter.add.f32 [tilespmem:s16], [sflag:$0x3], $0x80, s29, s15, $0xb8;
	[tilespmem:$0x1E800] =	vst v63  }
0x61: {  	_ =	swait.ge [sflag:s13], $0x4000  }
0x62: {  	[sflag:s13] =	ssyncset.done $0x0  }
0x63: {  	s30 =	simm.s32 $0x100;
	[sflag:s13] =	ssyncadd.s32 $0xFFFFC000  }
0x64: {  	[tilespmem:s16], [sflag:$0x1] =	stream.indirect.gather [hbm4b:s4+s15], $0x80, s30, s15, $0xb8;
	[tilespmem:$0x1E800] =	vst v63  }
0x65: {  	_ =	swait.ge [sflag:s19], $0x4000  }
0x66: {  	[sflag:s19] =	ssyncset.done $0x0  }
0x67: {  	s31 =	simm.s32 $0x1480;
	[sflag:s19] =	ssyncadd.s32 $0xFFFFC000  }
0x68: {  	[spmem:s1] =	stream.indirect.scatter.add.f32 [tilespmem:s17], [sflag:$0x3], $0x80, s31, s15, $0xb8;
	[tilespmem:$0x1E800] =	vst v63  }
0x69: {  	_ =	swait.ge [sflag:s13], $0x4000  }
0x6a: {  	[sflag:s13] =	ssyncset.done $0x0  }
0x6b: {  	s25 =	simm.s32 $0x180;
	s24 =	simm.s32 $0x400;
	[sflag:s13] =	ssyncadd.s32 $0xFFFFC000  }
.LBB2_4:
0x6c: {  	[tilespmem:s17], [sflag:$0x2] =	stream.indirect.gather [hbm4b:s4+s15], $0x80, s25, s15, $0xb8;
	[tilespmem:$0x1E800] =	vst v63  }
0x6d: {  	s25 =	smov.u32 s24  }
0x6e: {  	p0 =	sne.s32 s24, $0x4800;
	s24 =	sadd.s32 $0x400, s24;
	_ =	swait.ge [sflag:s18], $0x4000  }
0x6f: {  	s25 =	sshra.s32 s25, $0x2;
	[sflag:s18] =	ssyncset.done $0x0  }
0x70: {  	s26 =	sadd.s32 $0x1400, s25;
	[sflag:s18] =	ssyncadd.s32 $0xFFFFC000  }
0x71: {  	[spmem:s1] =	stream.indirect.scatter.add.f32 [tilespmem:s16], [sflag:$0x3], $0x80, s26, s15, $0xb8;
	[tilespmem:$0x1E800] =	vst v63  }
0x72: {  	_ =	swait.ge [sflag:s13], $0x4000  }
0x73: {  	[sflag:s13] =	ssyncset.done $0x0  }
0x74: {  	s26 =	sadd.s32 $0x100, s25;
	[sflag:s13] =	ssyncadd.s32 $0xFFFFC000  }
0x75: {  	[tilespmem:s16], [sflag:$0x1] =	stream.indirect.gather [hbm4b:s4+s15], $0x80, s26, s15, $0xb8;
	[tilespmem:$0x1E800] =	vst v63  }
0x76: {  	_ =	swait.ge [sflag:s19], $0x4000  }
0x77: {  	[sflag:s19] =	ssyncset.done $0x0  }
.Ltmp1:
0x78: {  	s26 =	sadd.s32 $0x1480, s25;
	[sflag:s19] =	ssyncadd.s32 $0xFFFFC000;
	(pc) =	sbr.rel @p0 .LBB2_4-.Ltmp1, $4  }
0x79: {  	[spmem:s1] =	stream.indirect.scatter.add.f32 [tilespmem:s17], [sflag:$0x3], $0x80, s26, s15, $0xb8;
	[tilespmem:$0x1E800] =	vst v63  }
0x7a: {  	_ =	swait.ge [sflag:s13], $0x4000  }
0x7b: {  	[sflag:s13] =	ssyncset.done $0x0  }
0x7c: {  	s25 =	sadd.s32 $0x180, s25;
	[sflag:s13] =	ssyncadd.s32 $0xFFFFC000  }
0x7d: {  	[tilespmem:s17], [sflag:$0x2] =	stream.indirect.gather [hbm4b:s4+s15], $0x80, s25, s15, $0xb8;
	[tilespmem:$0x1E800] =	vst v63  }
0x7e: {  	_ =	swait.ge [sflag:s18], $0x4000  }
0x7f: {  	[sflag:s18] =	ssyncset.done $0x0  }
0x80: {  	[sflag:s18] =	ssyncadd.s32 $0xFFFFC000  }
0x81: {  	[spmem:s1] =	stream.indirect.scatter.add.f32 [tilespmem:s16], [sflag:$0x3], $0x80, s20, s15, $0xb8;
	[tilespmem:$0x1E800] =	vst v63  }
0x82: {  	_ =	swait.ge [sflag:s13], $0x4000  }
0x83: {  	[sflag:s13] =	ssyncset.done $0x0  }
0x84: {  	[sflag:s13] =	ssyncadd.s32 $0xFFFFC000  }
0x85: {  	_ =	swait.ge [sflag:s19], $0x4000  }
0x86: {  	[sflag:s19] =	ssyncset.done $0x0  }
0x87: {  	[sflag:s19] =	ssyncadd.s32 $0xFFFFC000  }
0x88: {  	[spmem:s1] =	stream.indirect.scatter.add.f32 [tilespmem:s17], [sflag:$0x3], $0x80, s21, s15, $0xb8;
	[tilespmem:$0x1E800] =	vst v63  }
0x89: {  	_ =	swait.ge [sflag:s13], $0x4000  }
0x8a: {  	s23 =	sadd.s32 $0x1, s23;
	[sflag:s13] =	ssyncset.done $0x0  }
0x8b: {  	p0 =	sne.s32 s23, s11;
	[sflag:s13] =	ssyncadd.s32 $0xFFFFC000  }
.Ltmp2:
0x8c: {  	[bflag:$0x0] =	sbarrier.arrive $0xFFFF;
	(pc) =	sbr.rel @p0 .LBB2_1-.Ltmp2, $4  }
0x8d: {  	[hbm:s22], [sflag:s6] =	dma.local [spmem:s12], $0x2800  }
0x8e: {  	_ =	swait.ge [sflag:s13], $0x2800  }
0x8f: {  	[sflag:s13] =	ssyncset.done $0x0  }
0x90: {  	[sflag:s13] =	ssyncadd.s32 $0xFFFFD800  }
0x91: {  	_ =	sfence.sel $0x180000  }
0x92: {  	[bflag:$0x0] =	sbarrier.arrive $0xFFFF  }
0x93: {  	p0 =	sne.s32 s3, $0x0;
	_ =	strace $0x9000004A  }
0x94: {  	s0 =	sadd.s32 @!p0 $0x100000, s0;
	[bflag:$0x2] =	sbarrier.arrive $0xFFFF  }
0x95: {  	[sflag:s0] =	ssyncadd.tile.s32 @!p0 $0x1;
	_ =	shalt  }
.Lfunc_end2:
_tile_overlayer_lowered:
.L_overlay_start_2:
0x96: {  	(tag) =	ssettag $0x2  }
0x97: {  	s0 =	rddreg [dreg:$0x0];
	s2 =	stileid.u32  }
0x98: {  	s1 =	rddreg [dreg:$0x1];
	p0 =	sne.s32 s2, $0x0  }
0x99: {  	s3 =	rddreg [dreg:$0x2];
	[bflag:$0x3] =	sbarrier.arrive $0xFFFF;
	s2 =	simm.s32 @!p0 $0x1C03  }
0x9a: {  	[timem:s3], [sflag:s2] =	dma.local @!p0 [hbm:s0], s1  }
0x9b: {  	s0 =	simm.s32 @!p0 $0x3  }
0x9c: {  	_ =	swait.ge @!p0 [sflag:s0], s1  }
0x9d: {  	s1 =	ssub.s32 @!p0 $0x0, s1;
	[sflag:s0] =	ssyncset.done @!p0 $0x0  }
0x9e: {  	[sflag:s0] =	ssyncadd.s32 @!p0 s1  }
0x9f: {  	[bflag:$0x3] =	sbarrier.arrive $0xFFFF  }
0xa0: {  	_ =	shalt  }

</sc_bundles>
